<compile_context>
chip_gen: v7x
topology: tpu7x:2x2x1
jax: 0.10.2.dev20260603
libtpu: 0.0.44.dev20260713+nightly
codegen_flags: <defaults>
</compile_context>

<pallas_src>
import functools

import jax
import jax.numpy as jnp
from jax import lax
from jax.experimental import pallas as pl
from jax.experimental.pallas import tpu as pltpu
from jax.experimental.pallas import tpu_sc as plsc

N = 10000
E = 5000
D_H = 64
L0 = 1.0
L1 = 1.0
ALPHA = 0.1
ITERS = 10

NW = 16
EPW = 320
EPAD = NW * EPW
NPW = 640
NPAD = NW * NPW
G = 256
U = 128
NSL = D_H // 16
CPAD = 336
IPAD = 656


def _sc_layer_body(f_hbm, nA_hbm, hA_hbm, hB_hbm, nB_hbm, starts_hbm,
                   coeff_hbm, invdt_hbm,
                   y_hbm, yec_hbm,
                   srcb, tgtb, rowbuf, acc, coeffl, invdtl, yloc, fbuf,
                   stab, sem):
    t = lax.axis_index("s")
    e0 = t * EPW
    n0 = t * NPW

    pltpu.sync_copy(starts_hbm, stab)
    pltpu.sync_copy(coeff_hbm.at[t], coeffl)
    pltpu.sync_copy(invdt_hbm.at[t], invdtl)

    pltpu.sync_copy(f_hbm.at[pl.ds(n0, NPW)], yloc)
    pltpu.sync_copy(yloc, y_hbm.at[pl.ds(n0, NPW)])
    plsc.subcore_barrier()

    zvec = jnp.zeros((16,), jnp.float32)

    def zero_acc(nrows):
        def zb(r, c):
            for j in range(NSL):
                acc[r, pl.ds(16 * j, 16)] = zvec
            return c
        lax.fori_loop(0, nrows, zb, 0)

    def gather_accum(idx_hbm, tgt_hbm, table_hbm, sbase, cnt, base):
        a = (sbase // 8) * 8
        tot = (sbase - a) + cnt
        nch = (tot + G - 1) // G

        def chunk(c, carry):
            off = a + c * G
            pltpu.sync_copy(idx_hbm.at[pl.ds(off, G)], srcb)
            pltpu.sync_copy(tgt_hbm.at[pl.ds(off, G)], tgtb.at[pl.ds(0, G)])
            pltpu.async_copy(table_hbm.at[srcb], rowbuf, sem).wait()
            lo = jnp.maximum(sbase - off, 0)
            hi = jnp.minimum(sbase + cnt - off, G)

            def entry(k, cc):
                tgt = tgtb[pl.ds(k, 16)][0] - base
                for j in range(NSL):
                    plsc.addupdate(acc.at[tgt, pl.ds(16 * j, 16)],
                                   rowbuf[k, pl.ds(16 * j, 16)])
                return cc
            lax.fori_loop(lo, hi, entry, 0)
            return carry
        lax.fori_loop(0, nch, chunk, 0)

    def iteration(i, carry):
        zero_acc(EPW)
        sv = stab[0, pl.ds(t, 16)]
        sA = sv[0]
        cA = sv[1] - sA
        gather_accum(nA_hbm, hA_hbm, y_hbm, sA, cA, e0)

        def scale(r, c):
            cf = coeffl[pl.ds(r, 16)][0]
            for j in range(NSL):
                acc[r, pl.ds(16 * j, 16)] = acc[r, pl.ds(16 * j, 16)] * cf
            return c
        lax.fori_loop(0, EPW, scale, 0)
        pltpu.sync_copy(acc.at[pl.ds(0, EPW)], yec_hbm.at[pl.ds(e0, EPW)])
        plsc.subcore_barrier()

        zero_acc(NPW)
        sw = stab[1, pl.ds(t, 16)]
        sB = sw[0]
        cB = sw[1] - sB
        gather_accum(hB_hbm, nB_hbm, yec_hbm, sB, cB, n0)

        def upd_chunk(uc, c):
            pltpu.sync_copy(f_hbm.at[pl.ds(n0 + uc * U, U)], fbuf)

            def upd(r, cc):
                rr = uc * U + r
                inv = invdtl[pl.ds(rr, 16)][0]
                for j in range(NSL):
                    sl = pl.ds(16 * j, 16)
                    v = ((1.0 - ALPHA) * yloc[rr, sl]
                         + (ALPHA * inv) * (acc[rr, sl] + fbuf[r, sl]))
                    yloc[rr, sl] = jnp.maximum(v, 0.0)
                return cc
            lax.fori_loop(0, U, upd, 0)
            return c
        lax.fori_loop(0, NPW // U, upd_chunk, 0)
        pltpu.sync_copy(yloc, y_hbm.at[pl.ds(n0, NPW)])
        plsc.subcore_barrier()
        return carry

    lax.fori_loop(0, ITERS, iteration, 0)


@jax.jit
def _sc_layer(f, nA, hA, hB, nB, starts, coeff_pad, invdt_pad):
    mesh = plsc.VectorSubcoreMesh(core_axis_name="c", subcore_axis_name="s",
                                  num_cores=1)
    y, _ = pl.kernel(
        _sc_layer_body,
        out_type=(jax.ShapeDtypeStruct((NPAD, D_H), jnp.float32),
                  jax.ShapeDtypeStruct((EPAD, D_H), jnp.float32)),
        mesh=mesh,
        compiler_params=pltpu.CompilerParams(use_tc_tiling_on_sc=False),
        scratch_types=[
            pltpu.VMEM((G,), jnp.int32),
            pltpu.VMEM((G + 16,), jnp.int32),
            pltpu.VMEM((G, D_H), jnp.float32),
            pltpu.VMEM((NPW, D_H), jnp.float32),
            pltpu.VMEM((CPAD,), jnp.float32),
            pltpu.VMEM((IPAD,), jnp.float32),
            pltpu.VMEM((NPW, D_H), jnp.float32),
            pltpu.VMEM((U, D_H), jnp.float32),
            pltpu.VMEM((2, 32), jnp.int32),
            pltpu.SemaphoreType.DMA,
        ],
    )(f, nA, hA, hB, nB, starts, coeff_pad, invdt_pad)
    return y


def _proj_body(x_ref, w_ref, b_ref, o_ref):
    o_ref[...] = (jnp.dot(x_ref[...], w_ref[...],
                          preferred_element_type=jnp.float32) + b_ref[...])


def _proj_res_body(y_ref, r_ref, w_ref, b_ref, x_ref, f_ref):
    x = y_ref[...] + r_ref[...]
    x_ref[...] = x
    f_ref[...] = (jnp.dot(x, w_ref[...],
                          preferred_element_type=jnp.float32) + b_ref[...])


def _proj(x, w, b):
    return pl.pallas_call(
        _proj_body,
        out_shape=jax.ShapeDtypeStruct((N, w.shape[1]), jnp.float32),
    )(x, w, b.reshape(1, -1))


def _proj_res(y, r, w, b):
    return pl.pallas_call(
        _proj_res_body,
        out_shape=(jax.ShapeDtypeStruct((N, D_H), jnp.float32),
                   jax.ShapeDtypeStruct((N, w.shape[1]), jnp.float32)),
    )(y, r, w, b.reshape(1, -1))


def kernel(node_features, node_idx, hedge_idx, W1, b1, W2, b2, W3, b3,
           W_out, b_out):
    nnz = node_idx.shape[0]
    permA = jnp.argsort(hedge_idx)
    hA = hedge_idx[permA]
    nA = node_idx[permA]
    permB = jnp.argsort(node_idx)
    nB = node_idx[permB]
    hB = hedge_idx[permB]

    bh = jnp.searchsorted(hA, jnp.arange(E + 1, dtype=jnp.int32)).astype(jnp.int32)
    De_i = jnp.maximum(bh[1:] - bh[:-1], 1)
    bn = jnp.searchsorted(nB, jnp.arange(N + 1, dtype=jnp.int32)).astype(jnp.int32)
    D1_i = bn[1:] - bn[:-1]
    cw = jnp.concatenate([jnp.zeros((1,), jnp.int32), jnp.cumsum(De_i[hB])])
    D0_i = cw[bn[1:]] - cw[bn[:-1]]
    De = De_i.astype(jnp.float32)
    Dt = (L0 * D0_i.astype(jnp.float32) + L1 * D1_i.astype(jnp.float32) + 1.0)
    invdt = 1.0 / Dt
    coeff = L0 + L1 / De

    sA = jnp.searchsorted(hA, jnp.arange(NW + 1, dtype=jnp.int32) * EPW).astype(jnp.int32)
    sB = jnp.searchsorted(nB, jnp.arange(NW + 1, dtype=jnp.int32) * NPW).astype(jnp.int32)
    starts = jnp.zeros((2, 32), jnp.int32)
    starts = starts.at[0, :NW + 1].set(sA).at[1, :NW + 1].set(sB)

    pad = 2 * G
    zpad = jnp.zeros((pad,), jnp.int32)
    nA_p = jnp.concatenate([nA, zpad])
    hA_p = jnp.concatenate([hA, zpad])
    hB_p = jnp.concatenate([hB, zpad])
    nB_p = jnp.concatenate([nB, zpad])

    coeff_pad = jnp.pad(
        jnp.concatenate([coeff, jnp.ones((EPAD - E,), jnp.float32)])
        .reshape(NW, EPW),
        ((0, 0), (0, CPAD - EPW)), constant_values=1.0)
    invdt_pad = jnp.pad(
        jnp.concatenate([invdt, jnp.ones((NPAD - N,), jnp.float32)])
        .reshape(NW, NPW),
        ((0, 0), (0, IPAD - NPW)), constant_values=1.0)

    def prop(f):
        fp = jnp.pad(f, ((0, NPAD - N), (0, 0)))
        y = _sc_layer(fp, nA_p, hA_p, hB_p, nB_p, starts, coeff_pad,
                      invdt_pad)
        return y[:N]

    f1 = _proj(node_features, W1, b1)
    Y1 = prop(f1)
    f2 = _proj(Y1, W2, b2)
    Y2 = prop(f2)
    x3, f3 = _proj_res(Y2, Y1, W3, b3)
    Y3 = prop(f3)
    _, out = _proj_res(Y3, x3, W_out, b_out)
    return out

# --- scband reference (transcript-rebuilt; emitter-appended) ---
"""Pipeline reference for scband-hypergraph-nn-87686052315248 (READ-ONLY COPY).

The authoritative reference and input builder live on the scoring server;
editing this copy changes nothing except your own understanding.
"""

import jax, jax.numpy as jnp
import numpy as np

N = 10000
E = 5000
NNZ = 320000
D_IN = 128
D_H = 64
D_OUT = 2
L0 = 1.0
L1 = 1.0
ALPHA = 0.1
ITERS = 10


def setup_inputs(seed: int = 0) -> dict:
    key = jax.random.key(seed)
    ks = jax.random.split(key, 12)
    inp = {}
    inp["node_features"] = jax.random.normal(ks[0], (N, D_IN), dtype=jnp.float32)
    inp["node_idx"] = jax.random.randint(ks[1], (NNZ,), 0, N, dtype=jnp.int32)
    inp["hedge_idx"] = jax.random.randint(ks[2], (NNZ,), 0, E, dtype=jnp.int32)
    inp["W1"] = jax.random.normal(ks[3], (D_IN, D_H), dtype=jnp.float32) * 0.05
    inp["b1"] = jnp.zeros((D_H,), dtype=jnp.float32)
    inp["W2"] = jax.random.normal(ks[4], (D_H, D_H), dtype=jnp.float32) * 0.05
    inp["b2"] = jnp.zeros((D_H,), dtype=jnp.float32)
    inp["W3"] = jax.random.normal(ks[5], (D_H, D_H), dtype=jnp.float32) * 0.05
    inp["b3"] = jnp.zeros((D_H,), dtype=jnp.float32)
    inp["W_out"] = jax.random.normal(ks[6], (D_H, D_OUT), dtype=jnp.float32) * 0.05
    inp["b_out"] = jnp.zeros((D_OUT,), dtype=jnp.float32)
    return inp


def _phenomnn_layer(X, W, b, node_idx, hedge_idx):
    # f(X; W): input projection
    f = X @ W + b
    ones = jnp.ones((node_idx.shape[0],), dtype=jnp.float32)
    # hyperedge sizes (column sums of incidence B)
    De = jax.ops.segment_sum(ones, hedge_idx, num_segments=E)
    De = jnp.maximum(De, 1.0)
    # degree of clique expansion A0 = B B^T: D0[i] = sum_{e: i in e} |e|
    D0 = jax.ops.segment_sum(De[hedge_idx], node_idx, num_segments=N)
    # degree of normalized expansion A1 = B De^{-1} B^T: row sums = node degree
    D1 = jax.ops.segment_sum(ones, node_idx, num_segments=N)
    Dt = L0 * D0 + L1 * D1 + 1.0
    coeff = (L0 + L1 / De)[:, None]
    Y = f
    for _ in range(ITERS):
        # node -> hyperedge aggregation (B^T Y)
        Ye = jax.ops.segment_sum(Y[node_idx], hedge_idx, num_segments=E)
        # hyperedge -> node scatter of (lambda0 I + lambda1 De^{-1}) B^T Y
        msg = jax.ops.segment_sum((coeff * Ye)[hedge_idx], node_idx, num_segments=N)
        Y = jax.nn.relu((1.0 - ALPHA) * Y + ALPHA * (msg + f) / Dt[:, None])
    return Y


def reference(node_features, node_idx, hedge_idx, W1, b1, W2, b2, W3, b3, W_out, b_out):
    x = node_features
    layers = [(W1, b1), (W2, b2), (W3, b3)]
    for i, (W, b) in enumerate(layers):
        residual = x if x.shape[-1] == D_H else None
        y = _phenomnn_layer(x, W, b, node_idx, hedge_idx)
        y = jax.nn.relu(y)
        # dropout is identity in eval mode
        if residual is not None:
            x = y + residual
        else:
            x = y
    return x @ W_out + b_out


if False:  # reference __main__ guard neutralized (emitter)
    out = reference(**setup_inputs())
    print(out.shape, out.dtype)

if __name__ == "__main__":
    import jax
    _d = setup_inputs()
    print(jax.jit(kernel)(*tuple(_d.values())))

</pallas_src>

<mosaic_0001>
#map = affine_map<(d0, d1) -> (0, 0)>
#map1 = affine_map<(d0, d1) -> (0)>
module attributes {stable_mosaic.version = 14 : i64} {
  func.func @_sc_layer_body(%arg0: i32, %arg1: i32, %arg2: memref<10240x64xf32, #tpu.memory_space<hbm>>, %arg3: memref<320512xi32, #tpu.memory_space<hbm>>, %arg4: memref<320512xi32, #tpu.memory_space<hbm>>, %arg5: memref<320512xi32, #tpu.memory_space<hbm>>, %arg6: memref<320512xi32, #tpu.memory_space<hbm>>, %arg7: memref<2x32xi32, #tpu.memory_space<hbm>>, %arg8: memref<16x336xf32, #tpu.memory_space<hbm>>, %arg9: memref<16x656xf32, #tpu.memory_space<hbm>>, %arg10: memref<10240x64xf32, #tpu.memory_space<hbm>>, %arg11: memref<5120x64xf32, #tpu.memory_space<hbm>>, %arg12: memref<256xi32, #tpu.memory_space<vmem>>, %arg13: memref<272xi32, #tpu.memory_space<vmem>>, %arg14: memref<256x64xf32, #tpu.memory_space<vmem>>, %arg15: memref<640x64xf32, #tpu.memory_space<vmem>>, %arg16: memref<336xf32, #tpu.memory_space<vmem>>, %arg17: memref<656xf32, #tpu.memory_space<vmem>>, %arg18: memref<640x64xf32, #tpu.memory_space<vmem>>, %arg19: memref<128x64xf32, #tpu.memory_space<vmem>>, %arg20: memref<2x32xi32, #tpu.memory_space<vmem>>, %arg21: memref<!tpu.dma_semaphore, #tpu.memory_space<semaphore_mem>>) attributes {dimension_semantics = [#tpu.dimension_semantics<core_parallel>, #tpu.dimension_semantics<subcore_parallel>], iteration_bounds = array<i64: 1, 16>, scalar_prefetch = 0 : i64, scratch_operands = 10 : i64, tpu.core_type = #tpu.core_type<sc_vector_subcore>, window_params = [{transform_indices = #map}, {transform_indices = #map1}, {transform_indices = #map1}, {transform_indices = #map1}, {transform_indices = #map1}, {transform_indices = #map}, {transform_indices = #map}, {transform_indices = #map}, {transform_indices = #map}, {transform_indices = #map}]} {
    %mul3A = arith.constant 320 : i32
    %mul3A_0 = arith.muli %arg1, %mul3A : i32
    %mul3A_1 = arith.constant 640 : i32
    %mul3A_2 = arith.muli %arg1, %mul3A_1 : i32
    "tpu.region"() ({
      %run_scoped3A = tpu.sem_alloc : memref<!tpu.dma_semaphore, #tpu.memory_space<semaphore_mem>>
      tpu.enqueue_dma source(%arg7 : memref<2x32xi32, #tpu.memory_space<hbm>>) target(%arg20 : memref<2x32xi32, #tpu.memory_space<vmem>>) target_semaphore(%run_scoped3A : memref<!tpu.dma_semaphore, #tpu.memory_space<semaphore_mem>>)
      tpu.wait_dma2 semaphore(%run_scoped3A : memref<!tpu.dma_semaphore, #tpu.memory_space<semaphore_mem>>) src(%arg7 : memref<2x32xi32, #tpu.memory_space<hbm>>) dst(%arg20 : memref<2x32xi32, #tpu.memory_space<vmem>>)
      tpu.yield
    }) : () -> ()
    "tpu.region"() ({
      %run_scoped3A = tpu.sem_alloc : memref<!tpu.dma_semaphore, #tpu.memory_space<semaphore_mem>>
      %dma_start3A = arith.constant 0 : i32
      %dma_start3A_9 = tpu.memref_slice %arg8[%arg1, %dma_start3A] : memref<16x336xf32, #tpu.memory_space<hbm>> -> memref<1x336xf32, #tpu.memory_space<hbm>>
      %dma_start3A_10 = tpu.memref_squeeze %dma_start3A_9 : memref<1x336xf32, #tpu.memory_space<hbm>> -> memref<336xf32, #tpu.memory_space<hbm>>
      %dma_start3A_11 = arith.constant 0 : i32
      %dma_start3A_12 = tpu.memref_slice %arg8[%arg1, %dma_start3A_11] : memref<16x336xf32, #tpu.memory_space<hbm>> -> memref<1x336xf32, #tpu.memory_space<hbm>>
      %dma_start3A_13 = tpu.memref_squeeze %dma_start3A_12 : memref<1x336xf32, #tpu.memory_space<hbm>> -> memref<336xf32, #tpu.memory_space<hbm>>
      tpu.enqueue_dma source(%dma_start3A_13 : memref<336xf32, #tpu.memory_space<hbm>>) target(%arg16 : memref<336xf32, #tpu.memory_space<vmem>>) target_semaphore(%run_scoped3A : memref<!tpu.dma_semaphore, #tpu.memory_space<semaphore_mem>>)
      %dma_wait3A = arith.constant 0 : i32
      %dma_wait3A_14 = tpu.memref_slice %arg8[%arg1, %dma_wait3A] : memref<16x336xf32, #tpu.memory_space<hbm>> -> memref<1x336xf32, #tpu.memory_space<hbm>>
      %dma_wait3A_15 = tpu.memref_squeeze %dma_wait3A_14 : memref<1x336xf32, #tpu.memory_space<hbm>> -> memref<336xf32, #tpu.memory_space<hbm>>
      %dma_wait3A_16 = arith.constant 0 : i32
      %dma_wait3A_17 = tpu.memref_slice %arg8[%arg1, %dma_wait3A_16] : memref<16x336xf32, #tpu.memory_space<hbm>> -> memref<1x336xf32, #tpu.memory_space<hbm>>
      %dma_wait3A_18 = tpu.memref_squeeze %dma_wait3A_17 : memref<1x336xf32, #tpu.memory_space<hbm>> -> memref<336xf32, #tpu.memory_space<hbm>>
      tpu.wait_dma2 semaphore(%run_scoped3A : memref<!tpu.dma_semaphore, #tpu.memory_space<semaphore_mem>>) src(%dma_wait3A_18 : memref<336xf32, #tpu.memory_space<hbm>>) dst(%arg16 : memref<336xf32, #tpu.memory_space<vmem>>)
      tpu.yield
    }) : () -> ()
    "tpu.region"() ({
      %run_scoped3A = tpu.sem_alloc : memref<!tpu.dma_semaphore, #tpu.memory_space<semaphore_mem>>
      %dma_start3A = arith.constant 0 : i32
      %dma_start3A_9 = tpu.memref_slice %arg9[%arg1, %dma_start3A] : memref<16x656xf32, #tpu.memory_space<hbm>> -> memref<1x656xf32, #tpu.memory_space<hbm>>
      %dma_start3A_10 = tpu.memref_squeeze %dma_start3A_9 : memref<1x656xf32, #tpu.memory_space<hbm>> -> memref<656xf32, #tpu.memory_space<hbm>>
      %dma_start3A_11 = arith.constant 0 : i32
      %dma_start3A_12 = tpu.memref_slice %arg9[%arg1, %dma_start3A_11] : memref<16x656xf32, #tpu.memory_space<hbm>> -> memref<1x656xf32, #tpu.memory_space<hbm>>
      %dma_start3A_13 = tpu.memref_squeeze %dma_start3A_12 : memref<1x656xf32, #tpu.memory_space<hbm>> -> memref<656xf32, #tpu.memory_space<hbm>>
      tpu.enqueue_dma source(%dma_start3A_13 : memref<656xf32, #tpu.memory_space<hbm>>) target(%arg17 : memref<656xf32, #tpu.memory_space<vmem>>) target_semaphore(%run_scoped3A : memref<!tpu.dma_semaphore, #tpu.memory_space<semaphore_mem>>)
      %dma_wait3A = arith.constant 0 : i32
      %dma_wait3A_14 = tpu.memref_slice %arg9[%arg1, %dma_wait3A] : memref<16x656xf32, #tpu.memory_space<hbm>> -> memref<1x656xf32, #tpu.memory_space<hbm>>
      %dma_wait3A_15 = tpu.memref_squeeze %dma_wait3A_14 : memref<1x656xf32, #tpu.memory_space<hbm>> -> memref<656xf32, #tpu.memory_space<hbm>>
      %dma_wait3A_16 = arith.constant 0 : i32
      %dma_wait3A_17 = tpu.memref_slice %arg9[%arg1, %dma_wait3A_16] : memref<16x656xf32, #tpu.memory_space<hbm>> -> memref<1x656xf32, #tpu.memory_space<hbm>>
      %dma_wait3A_18 = tpu.memref_squeeze %dma_wait3A_17 : memref<1x656xf32, #tpu.memory_space<hbm>> -> memref<656xf32, #tpu.memory_space<hbm>>
      tpu.wait_dma2 semaphore(%run_scoped3A : memref<!tpu.dma_semaphore, #tpu.memory_space<semaphore_mem>>) src(%dma_wait3A_18 : memref<656xf32, #tpu.memory_space<hbm>>) dst(%arg17 : memref<656xf32, #tpu.memory_space<vmem>>)
      tpu.yield
    }) : () -> ()
    "tpu.region"() ({
      %run_scoped3A = tpu.sem_alloc : memref<!tpu.dma_semaphore, #tpu.memory_space<semaphore_mem>>
      %dma_start3A = arith.constant 0 : i32
      %dma_start3A_9 = tpu.memref_slice %arg2[%mul3A_2, %dma_start3A] : memref<10240x64xf32, #tpu.memory_space<hbm>> -> memref<640x64xf32, #tpu.memory_space<hbm>>
      %dma_start3A_10 = arith.constant 0 : i32
      %dma_start3A_11 = tpu.memref_slice %arg2[%mul3A_2, %dma_start3A_10] : memref<10240x64xf32, #tpu.memory_space<hbm>> -> memref<640x64xf32, #tpu.memory_space<hbm>>
      tpu.enqueue_dma source(%dma_start3A_11 : memref<640x64xf32, #tpu.memory_space<hbm>>) target(%arg18 : memref<640x64xf32, #tpu.memory_space<vmem>>) target_semaphore(%run_scoped3A : memref<!tpu.dma_semaphore, #tpu.memory_space<semaphore_mem>>)
      %dma_wait3A = arith.constant 0 : i32
      %dma_wait3A_12 = tpu.memref_slice %arg2[%mul3A_2, %dma_wait3A] : memref<10240x64xf32, #tpu.memory_space<hbm>> -> memref<640x64xf32, #tpu.memory_space<hbm>>
      %dma_wait3A_13 = arith.constant 0 : i32
      %dma_wait3A_14 = tpu.memref_slice %arg2[%mul3A_2, %dma_wait3A_13] : memref<10240x64xf32, #tpu.memory_space<hbm>> -> memref<640x64xf32, #tpu.memory_space<hbm>>
      tpu.wait_dma2 semaphore(%run_scoped3A : memref<!tpu.dma_semaphore, #tpu.memory_space<semaphore_mem>>) src(%dma_wait3A_14 : memref<640x64xf32, #tpu.memory_space<hbm>>) dst(%arg18 : memref<640x64xf32, #tpu.memory_space<vmem>>)
      tpu.yield
    }) : () -> ()
    "tpu.region"() ({
      %run_scoped3A = tpu.sem_alloc : memref<!tpu.dma_semaphore, #tpu.memory_space<semaphore_mem>>
      %dma_start3A = arith.constant 0 : i32
      %dma_start3A_9 = tpu.memref_slice %arg10[%mul3A_2, %dma_start3A] : memref<10240x64xf32, #tpu.memory_space<hbm>> -> memref<640x64xf32, #tpu.memory_space<hbm>>
      %dma_start3A_10 = arith.constant 0 : i32
      %dma_start3A_11 = tpu.memref_slice %arg10[%mul3A_2, %dma_start3A_10] : memref<10240x64xf32, #tpu.memory_space<hbm>> -> memref<640x64xf32, #tpu.memory_space<hbm>>
      tpu.enqueue_dma source(%arg18 : memref<640x64xf32, #tpu.memory_space<vmem>>) target(%dma_start3A_11 : memref<640x64xf32, #tpu.memory_space<hbm>>) target_semaphore(%run_scoped3A : memref<!tpu.dma_semaphore, #tpu.memory_space<semaphore_mem>>)
      %dma_wait3A = arith.constant 0 : i32
      %dma_wait3A_12 = tpu.memref_slice %arg10[%mul3A_2, %dma_wait3A] : memref<10240x64xf32, #tpu.memory_space<hbm>> -> memref<640x64xf32, #tpu.memory_space<hbm>>
      %dma_wait3A_13 = arith.constant 0 : i32
      %dma_wait3A_14 = tpu.memref_slice %arg10[%mul3A_2, %dma_wait3A_13] : memref<10240x64xf32, #tpu.memory_space<hbm>> -> memref<640x64xf32, #tpu.memory_space<hbm>>
      tpu.wait_dma2 semaphore(%run_scoped3A : memref<!tpu.dma_semaphore, #tpu.memory_space<semaphore_mem>>) src(%arg18 : memref<640x64xf32, #tpu.memory_space<vmem>>) dst(%dma_wait3A_14 : memref<640x64xf32, #tpu.memory_space<hbm>>)
      tpu.yield
    }) : () -> ()
    %barrier3A = arith.constant 0 : index
    tpu.barrier barrier_id(%barrier3A)
    %broadcast_in_dim3A = arith.constant 0.000000e+00 : f32
    %broadcast_in_dim3A_3 = vector.broadcast %broadcast_in_dim3A : f32 to vector<16xf32>
    %scan3A = arith.constant 0 : i32
    %scan3A_4 = arith.constant 0 : i32
    %scan3A_5 = arith.constant 10 : i32
    %scan3A_6 = arith.addi %scan3A_4, %scan3A_5 : i32
    %scan3A_7 = arith.constant 1 : i32
    scf.for %scan3A_9 = %scan3A_4 to %scan3A_6 step %scan3A_7  : i32 {
      %scan3A_10 = arith.constant 0 : i32
      %scan3A_11 = arith.constant 0 : i32
      %scan3A_12 = arith.constant 320 : i32
      %scan3A_13 = arith.addi %scan3A_11, %scan3A_12 : i32
      %scan3A_14 = arith.constant 1 : i32
      scf.for %scan3A_175 = %scan3A_11 to %scan3A_13 step %scan3A_14  : i32 {
        %swap3A = arith.index_cast %scan3A_175 : i32 to index
        %swap3A_176 = arith.constant 0 : index
        %swap3A_177 = tpu.vector_load %arg15[%swap3A, %swap3A_176] {strides = array<i32>} : memref<640x64xf32, #tpu.memory_space<vmem>>, vector<1x16xf32>,
        %swap3A_178 = vector.shape_cast %swap3A_177 : vector<1x16xf32> to vector<16xf32>
        %swap3A_179 = vector.shape_cast %broadcast_in_dim3A_3 : vector<16xf32> to vector<1x16xf32>
        tpu.vector_store %arg15[%swap3A, %swap3A_176], %swap3A_179 {strides = array<i32>} : memref<640x64xf32, #tpu.memory_space<vmem>>, vector<1x16xf32>,
        %swap3A_180 = arith.index_cast %scan3A_175 : i32 to index
        %swap3A_181 = arith.constant 16 : index
        %swap3A_182 = tpu.vector_load %arg15[%swap3A_180, %swap3A_181] {strides = array<i32>} : memref<640x64xf32, #tpu.memory_space<vmem>>, vector<1x16xf32>,
        %swap3A_183 = vector.shape_cast %swap3A_182 : vector<1x16xf32> to vector<16xf32>
        %swap3A_184 = vector.shape_cast %broadcast_in_dim3A_3 : vector<16xf32> to vector<1x16xf32>
        tpu.vector_store %arg15[%swap3A_180, %swap3A_181], %swap3A_184 {strides = array<i32>} : memref<640x64xf32, #tpu.memory_space<vmem>>, vector<1x16xf32>,
        %swap3A_185 = arith.index_cast %scan3A_175 : i32 to index
        %swap3A_186 = arith.constant 32 : index
        %swap3A_187 = tpu.vector_load %arg15[%swap3A_185, %swap3A_186] {strides = array<i32>} : memref<640x64xf32, #tpu.memory_space<vmem>>, vector<1x16xf32>,
        %swap3A_188 = vector.shape_cast %swap3A_187 : vector<1x16xf32> to vector<16xf32>
        %swap3A_189 = vector.shape_cast %broadcast_in_dim3A_3 : vector<16xf32> to vector<1x16xf32>
        tpu.vector_store %arg15[%swap3A_185, %swap3A_186], %swap3A_189 {strides = array<i32>} : memref<640x64xf32, #tpu.memory_space<vmem>>, vector<1x16xf32>,
        %swap3A_190 = arith.index_cast %scan3A_175 : i32 to index
        %swap3A_191 = arith.constant 48 : index
        %swap3A_192 = tpu.vector_load %arg15[%swap3A_190, %swap3A_191] {strides = array<i32>} : memref<640x64xf32, #tpu.memory_space<vmem>>, vector<1x16xf32>,
        %swap3A_193 = vector.shape_cast %swap3A_192 : vector<1x16xf32> to vector<16xf32>
        %swap3A_194 = vector.shape_cast %broadcast_in_dim3A_3 : vector<16xf32> to vector<1x16xf32>
        tpu.vector_store %arg15[%swap3A_190, %swap3A_191], %swap3A_194 {strides = array<i32>} : memref<640x64xf32, #tpu.memory_space<vmem>>, vector<1x16xf32>,
      }
      %scan3A_15 = arith.constant 320 : i32
      %get3A = arith.constant 0 : i32
      %get3A_16 = arith.index_cast %get3A : i32 to index
      %get3A_17 = arith.index_cast %arg1 : i32 to index
      %get3A_18 = tpu.vector_load %arg20[%get3A_16, %get3A_17] {strides = array<i32>} : memref<2x32xi32, #tpu.memory_space<vmem>>, vector<1x16xi32>,
      %get3A_19 = vector.shape_cast %get3A_18 : vector<1x16xi32> to vector<16xi32>
      %slice3A = vector.extract_strided_slice %get3A_19 {offsets = [0], sizes = [1], strides = [1]} : vector<16xi32> to vector<1xi32>
      %squeeze3A = vector.extract %slice3A[0] : i32 from vector<1xi32>
      %slice3A_20 = vector.extract_strided_slice %get3A_19 {offsets = [1], sizes = [1], strides = [1]} : vector<16xi32> to vector<1xi32>
      %squeeze3A_21 = vector.extract %slice3A_20[0] : i32 from vector<1xi32>
      %sub3A = arith.subi %squeeze3A_21, %squeeze3A : i32
      %jit3A = arith.constant 8 : i32
      %div3A = arith.divsi %squeeze3A, %jit3A : i32
      %sign3A = arith.constant 0 : i32
      %sign3A_22 = arith.cmpi sgt, %squeeze3A, %sign3A : i32
      %sign3A_23 = arith.extui %sign3A_22 : i1 to i32
      %sign3A_24 = arith.constant 0 : i32
      %sign3A_25 = arith.cmpi slt, %squeeze3A, %sign3A_24 : i32
      %sign3A_26 = arith.extui %sign3A_25 : i1 to i32
      %sign3A_27 = arith.subi %sign3A_23, %sign3A_26 : i32
      %sign3A_28 = arith.constant 0 : i32
      %sign3A_29 = arith.cmpi sgt, %jit3A, %sign3A_28 : i32
      %sign3A_30 = arith.extui %sign3A_29 : i1 to i32
      %sign3A_31 = arith.constant 0 : i32
      %sign3A_32 = arith.cmpi slt, %jit3A, %sign3A_31 : i32
      %sign3A_33 = arith.extui %sign3A_32 : i1 to i32
      %sign3A_34 = arith.subi %sign3A_30, %sign3A_33 : i32
      %ne3A = arith.cmpi ne, %sign3A_27, %sign3A_34 : i32
      %rem3A = arith.remsi %squeeze3A, %jit3A : i32
      %ne3A_35 = arith.constant 0 : i32
      %ne3A_36 = arith.cmpi ne, %rem3A, %ne3A_35 : i32
      %and3A = arith.andi %ne3A, %ne3A_36 : i1
      %sub3A_37 = arith.constant 1 : i32
      %sub3A_38 = arith.subi %div3A, %sub3A_37 : i32
      %select_n3A = arith.select %and3A, %sub3A_38, %div3A : i32
      %mul3A_39 = arith.constant 8 : i32
      %mul3A_40 = arith.muli %select_n3A, %mul3A_39 : i32
      %sub3A_41 = arith.subi %squeeze3A, %mul3A_40 : i32
      %add3A = arith.addi %sub3A_41, %sub3A : i32
      %add3A_42 = arith.constant 256 : i32
      %add3A_43 = arith.addi %add3A, %add3A_42 : i32
      %sub3A_44 = arith.constant 1 : i32
      %sub3A_45 = arith.subi %add3A_43, %sub3A_44 : i32
      %jit3A_46 = arith.constant 256 : i32
      %div3A_47 = arith.divsi %sub3A_45, %jit3A_46 : i32
      %sign3A_48 = arith.constant 0 : i32
      %sign3A_49 = arith.cmpi sgt, %sub3A_45, %sign3A_48 : i32
      %sign3A_50 = arith.extui %sign3A_49 : i1 to i32
      %sign3A_51 = arith.constant 0 : i32
      %sign3A_52 = arith.cmpi slt, %sub3A_45, %sign3A_51 : i32
      %sign3A_53 = arith.extui %sign3A_52 : i1 to i32
      %sign3A_54 = arith.subi %sign3A_50, %sign3A_53 : i32
      %sign3A_55 = arith.constant 0 : i32
      %sign3A_56 = arith.cmpi sgt, %jit3A_46, %sign3A_55 : i32
      %sign3A_57 = arith.extui %sign3A_56 : i1 to i32
      %sign3A_58 = arith.constant 0 : i32
      %sign3A_59 = arith.cmpi slt, %jit3A_46, %sign3A_58 : i32
      %sign3A_60 = arith.extui %sign3A_59 : i1 to i32
      %sign3A_61 = arith.subi %sign3A_57, %sign3A_60 : i32
      %ne3A_62 = arith.cmpi ne, %sign3A_54, %sign3A_61 : i32
      %rem3A_63 = arith.remsi %sub3A_45, %jit3A_46 : i32
      %ne3A_64 = arith.constant 0 : i32
      %ne3A_65 = arith.cmpi ne, %rem3A_63, %ne3A_64 : i32
      %and3A_66 = arith.andi %ne3A_62, %ne3A_65 : i1
      %sub3A_67 = arith.constant 1 : i32
      %sub3A_68 = arith.subi %div3A_47, %sub3A_67 : i32
      %select_n3A_69 = arith.select %and3A_66, %sub3A_68, %div3A_47 : i32
      %while3A = arith.constant 0 : i32
      %while3A_70 = arith.constant 0 : i32
      %while3A_71 = arith.subi %select_n3A_69, %while3A_70 : i32
      %while3A_72 = arith.addi %while3A_70, %while3A_71 : i32
      %while3A_73 = arith.constant 1 : i32
      %while3A_74 = arith.divsi %while3A_71, %while3A_73 : i32
      %while3A_75 = arith.muli %while3A_74, %while3A_73 : i32
      %while3A_76 = arith.addi %while3A_70, %while3A_75 : i32
      %while3A_77 = arith.constant 1 : i32
      scf.for %while3A_175 = %while3A_70 to %while3A_76 step %while3A_77  : i32 {
        %mul3A_176 = arith.constant 256 : i32
        %mul3A_177 = arith.muli %while3A_175, %mul3A_176 : i32
        %add3A_178 = arith.addi %mul3A_40, %mul3A_177 : i32
        "tpu.region"() ({
          %run_scoped3A = tpu.sem_alloc : memref<!tpu.dma_semaphore, #tpu.memory_space<semaphore_mem>>
          %dma_start3A_197 = tpu.memref_slice %arg3[%add3A_178] : memref<320512xi32, #tpu.memory_space<hbm>> -> memref<256xi32, #tpu.memory_space<hbm>>
          %dma_start3A_198 = tpu.memref_slice %arg3[%add3A_178] : memref<320512xi32, #tpu.memory_space<hbm>> -> memref<256xi32, #tpu.memory_space<hbm>>
          tpu.enqueue_dma source(%dma_start3A_198 : memref<256xi32, #tpu.memory_space<hbm>>) target(%arg12 : memref<256xi32, #tpu.memory_space<vmem>>) target_semaphore(%run_scoped3A : memref<!tpu.dma_semaphore, #tpu.memory_space<semaphore_mem>>)
          %dma_wait3A_199 = tpu.memref_slice %arg3[%add3A_178] : memref<320512xi32, #tpu.memory_space<hbm>> -> memref<256xi32, #tpu.memory_space<hbm>>
          %dma_wait3A_200 = tpu.memref_slice %arg3[%add3A_178] : memref<320512xi32, #tpu.memory_space<hbm>> -> memref<256xi32, #tpu.memory_space<hbm>>
          tpu.wait_dma2 semaphore(%run_scoped3A : memref<!tpu.dma_semaphore, #tpu.memory_space<semaphore_mem>>) src(%dma_wait3A_200 : memref<256xi32, #tpu.memory_space<hbm>>) dst(%arg12 : memref<256xi32, #tpu.memory_space<vmem>>)
          tpu.yield
        }) : () -> ()
        "tpu.region"() ({
          %run_scoped3A = tpu.sem_alloc : memref<!tpu.dma_semaphore, #tpu.memory_space<semaphore_mem>>
          %dma_start3A_197 = arith.constant 0 : i32
          %dma_start3A_198 = tpu.memref_slice %arg13[%dma_start3A_197] : memref<272xi32, #tpu.memory_space<vmem>> -> memref<256xi32, #tpu.memory_space<vmem>>
          %dma_start3A_199 = tpu.memref_slice %arg4[%add3A_178] : memref<320512xi32, #tpu.memory_space<hbm>> -> memref<256xi32, #tpu.memory_space<hbm>>
          %dma_start3A_200 = arith.constant 0 : i32
          %dma_start3A_201 = tpu.memref_slice %arg13[%dma_start3A_200] : memref<272xi32, #tpu.memory_space<vmem>> -> memref<256xi32, #tpu.memory_space<vmem>>
          %dma_start3A_202 = tpu.memref_slice %arg4[%add3A_178] : memref<320512xi32, #tpu.memory_space<hbm>> -> memref<256xi32, #tpu.memory_space<hbm>>
          tpu.enqueue_dma source(%dma_start3A_202 : memref<256xi32, #tpu.memory_space<hbm>>) target(%dma_start3A_201 : memref<256xi32, #tpu.memory_space<vmem>>) target_semaphore(%run_scoped3A : memref<!tpu.dma_semaphore, #tpu.memory_space<semaphore_mem>>)
          %dma_wait3A_203 = arith.constant 0 : i32
          %dma_wait3A_204 = tpu.memref_slice %arg13[%dma_wait3A_203] : memref<272xi32, #tpu.memory_space<vmem>> -> memref<256xi32, #tpu.memory_space<vmem>>
          %dma_wait3A_205 = tpu.memref_slice %arg4[%add3A_178] : memref<320512xi32, #tpu.memory_space<hbm>> -> memref<256xi32, #tpu.memory_space<hbm>>
          %dma_wait3A_206 = arith.constant 0 : i32
          %dma_wait3A_207 = tpu.memref_slice %arg13[%dma_wait3A_206] : memref<272xi32, #tpu.memory_space<vmem>> -> memref<256xi32, #tpu.memory_space<vmem>>
          %dma_wait3A_208 = tpu.memref_slice %arg4[%add3A_178] : memref<320512xi32, #tpu.memory_space<hbm>> -> memref<256xi32, #tpu.memory_space<hbm>>
          tpu.wait_dma2 semaphore(%run_scoped3A : memref<!tpu.dma_semaphore, #tpu.memory_space<semaphore_mem>>) src(%dma_wait3A_208 : memref<256xi32, #tpu.memory_space<hbm>>) dst(%dma_wait3A_207 : memref<256xi32, #tpu.memory_space<vmem>>)
          tpu.yield
        }) : () -> ()
        %dma_start3A = arith.constant 0 : i32
        %dma_start3A_179 = arith.constant 0 : i32
        %dma_start3A_180 = tpu.memref_slice %arg10[%dma_start3A, %dma_start3A_179] : memref<10240x64xf32, #tpu.memory_space<hbm>> -> memref<10240x64xf32, #tpu.memory_space<hbm>>
        tpu.enqueue_indirect_dma source(%dma_start3A_180 : memref<10240x64xf32, #tpu.memory_space<hbm>>) target(%arg14 : memref<256x64xf32, #tpu.memory_space<vmem>>) offsets(%arg12 : memref<256xi32, #tpu.memory_space<vmem>>) semaphore(%arg21 : memref<!tpu.dma_semaphore, #tpu.memory_space<semaphore_mem>>)
        %dma_wait3A = arith.constant 0 : i32
        %dma_wait3A_181 = arith.constant 0 : i32
        %dma_wait3A_182 = tpu.memref_slice %arg10[%dma_wait3A, %dma_wait3A_181] : memref<10240x64xf32, #tpu.memory_space<hbm>> -> memref<10240x64xf32, #tpu.memory_space<hbm>>
        tpu.wait_indirect_dma semaphore(%arg21 : memref<!tpu.dma_semaphore, #tpu.memory_space<semaphore_mem>>) src(%dma_wait3A_182 : memref<10240x64xf32, #tpu.memory_space<hbm>>) dst(%arg14 : memref<256x64xf32, #tpu.memory_space<vmem>>)
        %sub3A_183 = arith.subi %squeeze3A, %add3A_178 : i32
        %max3A = arith.constant 0 : i32
        %max3A_184 = arith.maxsi %sub3A_183, %max3A : i32
        %add3A_185 = arith.addi %squeeze3A, %sub3A : i32
        %sub3A_186 = arith.subi %add3A_185, %add3A_178 : i32
        %min3A = arith.constant 256 : i32
        %min3A_187 = arith.minsi %sub3A_186, %min3A : i32
        %while3A_188 = arith.constant 0 : i32
        %while3A_189 = arith.subi %min3A_187, %max3A_184 : i32
        %while3A_190 = arith.addi %max3A_184, %while3A_189 : i32
        %while3A_191 = arith.constant 1 : i32
        %while3A_192 = arith.divsi %while3A_189, %while3A_191 : i32
        %while3A_193 = arith.muli %while3A_192, %while3A_191 : i32
        %while3A_194 = arith.addi %max3A_184, %while3A_193 : i32
        %while3A_195 = arith.constant 1 : i32
        scf.for %while3A_197 = %max3A_184 to %while3A_194 step %while3A_195  : i32 {
          %get3A_198 = arith.index_cast %while3A_197 : i32 to index
          %get3A_199 = tpu.vector_load %arg13[%get3A_198] {strides = array<i32>} : memref<272xi32, #tpu.memory_space<vmem>>, vector<16xi32>,
          %get3A_200 = vector.shape_cast %get3A_199 : vector<16xi32> to vector<16xi32>
          %slice3A_201 = vector.extract_strided_slice %get3A_200 {offsets = [0], sizes = [1], strides = [1]} : vector<16xi32> to vector<1xi32>
          %squeeze3A_202 = vector.extract %slice3A_201[0] : i32 from vector<1xi32>
          %sub3A_203 = arith.subi %squeeze3A_202, %mul3A_0 : i32
          %get3A_204 = arith.index_cast %while3A_197 : i32 to index
          %get3A_205 = arith.constant 0 : index
          %get3A_206 = tpu.vector_load %arg14[%get3A_204, %get3A_205] {strides = array<i32>} : memref<256x64xf32, #tpu.memory_space<vmem>>, vector<1x16xf32>,
          %get3A_207 = vector.shape_cast %get3A_206 : vector<1x16xf32> to vector<16xf32>
          %swap3A = arith.index_cast %sub3A_203 : i32 to index
          %swap3A_208 = arith.constant 0 : index
          %swap3A_209 = tpu.vector_load %arg15[%swap3A, %swap3A_208] {strides = array<i32>} : memref<640x64xf32, #tpu.memory_space<vmem>>, vector<1x16xf32>,
          %swap3A_210 = vector.shape_cast %swap3A_209 : vector<1x16xf32> to vector<16xf32>
          %swap3A_211 = vector.shape_cast %get3A_207 : vector<16xf32> to vector<1x16xf32>
          tpu.vector_store %arg15[%swap3A, %swap3A_208], %swap3A_211 {add = true, strides = array<i32>} : memref<640x64xf32, #tpu.memory_space<vmem>>, vector<1x16xf32>,
          %get3A_212 = arith.index_cast %while3A_197 : i32 to index
          %get3A_213 = arith.constant 16 : index
          %get3A_214 = tpu.vector_load %arg14[%get3A_212, %get3A_213] {strides = array<i32>} : memref<256x64xf32, #tpu.memory_space<vmem>>, vector<1x16xf32>,
          %get3A_215 = vector.shape_cast %get3A_214 : vector<1x16xf32> to vector<16xf32>
          %swap3A_216 = arith.index_cast %sub3A_203 : i32 to index
          %swap3A_217 = arith.constant 16 : index
          %swap3A_218 = tpu.vector_load %arg15[%swap3A_216, %swap3A_217] {strides = array<i32>} : memref<640x64xf32, #tpu.memory_space<vmem>>, vector<1x16xf32>,
          %swap3A_219 = vector.shape_cast %swap3A_218 : vector<1x16xf32> to vector<16xf32>
          %swap3A_220 = vector.shape_cast %get3A_215 : vector<16xf32> to vector<1x16xf32>
          tpu.vector_store %arg15[%swap3A_216, %swap3A_217], %swap3A_220 {add = true, strides = array<i32>} : memref<640x64xf32, #tpu.memory_space<vmem>>, vector<1x16xf32>,
          %get3A_221 = arith.index_cast %while3A_197 : i32 to index
          %get3A_222 = arith.constant 32 : index
          %get3A_223 = tpu.vector_load %arg14[%get3A_221, %get3A_222] {strides = array<i32>} : memref<256x64xf32, #tpu.memory_space<vmem>>, vector<1x16xf32>,
          %get3A_224 = vector.shape_cast %get3A_223 : vector<1x16xf32> to vector<16xf32>
          %swap3A_225 = arith.index_cast %sub3A_203 : i32 to index
          %swap3A_226 = arith.constant 32 : index
          %swap3A_227 = tpu.vector_load %arg15[%swap3A_225, %swap3A_226] {strides = array<i32>} : memref<640x64xf32, #tpu.memory_space<vmem>>, vector<1x16xf32>,
          %swap3A_228 = vector.shape_cast %swap3A_227 : vector<1x16xf32> to vector<16xf32>
          %swap3A_229 = vector.shape_cast %get3A_224 : vector<16xf32> to vector<1x16xf32>
          tpu.vector_store %arg15[%swap3A_225, %swap3A_226], %swap3A_229 {add = true, strides = array<i32>} : memref<640x64xf32, #tpu.memory_space<vmem>>, vector<1x16xf32>,
          %get3A_230 = arith.index_cast %while3A_197 : i32 to index
          %get3A_231 = arith.constant 48 : index
          %get3A_232 = tpu.vector_load %arg14[%get3A_230, %get3A_231] {strides = array<i32>} : memref<256x64xf32, #tpu.memory_space<vmem>>, vector<1x16xf32>,
          %get3A_233 = vector.shape_cast %get3A_232 : vector<1x16xf32> to vector<16xf32>
          %swap3A_234 = arith.index_cast %sub3A_203 : i32 to index
          %swap3A_235 = arith.constant 48 : index
          %swap3A_236 = tpu.vector_load %arg15[%swap3A_234, %swap3A_235] {strides = array<i32>} : memref<640x64xf32, #tpu.memory_space<vmem>>, vector<1x16xf32>,
          %swap3A_237 = vector.shape_cast %swap3A_236 : vector<1x16xf32> to vector<16xf32>
          %swap3A_238 = vector.shape_cast %get3A_233 : vector<16xf32> to vector<1x16xf32>
          tpu.vector_store %arg15[%swap3A_234, %swap3A_235], %swap3A_238 {add = true, strides = array<i32>} : memref<640x64xf32, #tpu.memory_space<vmem>>, vector<1x16xf32>,
        }
        %while3A_196 = arith.constant 1 : i32
        scf.for %while3A_197 = %while3A_194 to %while3A_190 step %while3A_196  : i32 {
          %get3A_198 = arith.index_cast %while3A_197 : i32 to index
          %get3A_199 = tpu.vector_load %arg13[%get3A_198] {strides = array<i32>} : memref<272xi32, #tpu.memory_space<vmem>>, vector<16xi32>,
          %get3A_200 = vector.shape_cast %get3A_199 : vector<16xi32> to vector<16xi32>
          %slice3A_201 = vector.extract_strided_slice %get3A_200 {offsets = [0], sizes = [1], strides = [1]} : vector<16xi32> to vector<1xi32>
          %squeeze3A_202 = vector.extract %slice3A_201[0] : i32 from vector<1xi32>
          %sub3A_203 = arith.subi %squeeze3A_202, %mul3A_0 : i32
          %get3A_204 = arith.index_cast %while3A_197 : i32 to index
          %get3A_205 = arith.constant 0 : index
          %get3A_206 = tpu.vector_load %arg14[%get3A_204, %get3A_205] {strides = array<i32>} : memref<256x64xf32, #tpu.memory_space<vmem>>, vector<1x16xf32>,
          %get3A_207 = vector.shape_cast %get3A_206 : vector<1x16xf32> to vector<16xf32>
          %swap3A = arith.index_cast %sub3A_203 : i32 to index
          %swap3A_208 = arith.constant 0 : index
          %swap3A_209 = tpu.vector_load %arg15[%swap3A, %swap3A_208] {strides = array<i32>} : memref<640x64xf32, #tpu.memory_space<vmem>>, vector<1x16xf32>,
          %swap3A_210 = vector.shape_cast %swap3A_209 : vector<1x16xf32> to vector<16xf32>
          %swap3A_211 = vector.shape_cast %get3A_207 : vector<16xf32> to vector<1x16xf32>
          tpu.vector_store %arg15[%swap3A, %swap3A_208], %swap3A_211 {add = true, strides = array<i32>} : memref<640x64xf32, #tpu.memory_space<vmem>>, vector<1x16xf32>,
          %get3A_212 = arith.index_cast %while3A_197 : i32 to index
          %get3A_213 = arith.constant 16 : index
          %get3A_214 = tpu.vector_load %arg14[%get3A_212, %get3A_213] {strides = array<i32>} : memref<256x64xf32, #tpu.memory_space<vmem>>, vector<1x16xf32>,
          %get3A_215 = vector.shape_cast %get3A_214 : vector<1x16xf32> to vector<16xf32>
          %swap3A_216 = arith.index_cast %sub3A_203 : i32 to index
          %swap3A_217 = arith.constant 16 : index
          %swap3A_218 = tpu.vector_load %arg15[%swap3A_216, %swap3A_217] {strides = array<i32>} : memref<640x64xf32, #tpu.memory_space<vmem>>, vector<1x16xf32>,
          %swap3A_219 = vector.shape_cast %swap3A_218 : vector<1x16xf32> to vector<16xf32>
          %swap3A_220 = vector.shape_cast %get3A_215 : vector<16xf32> to vector<1x16xf32>
          tpu.vector_store %arg15[%swap3A_216, %swap3A_217], %swap3A_220 {add = true, strides = array<i32>} : memref<640x64xf32, #tpu.memory_space<vmem>>, vector<1x16xf32>,
          %get3A_221 = arith.index_cast %while3A_197 : i32 to index
          %get3A_222 = arith.constant 32 : index
          %get3A_223 = tpu.vector_load %arg14[%get3A_221, %get3A_222] {strides = array<i32>} : memref<256x64xf32, #tpu.memory_space<vmem>>, vector<1x16xf32>,
          %get3A_224 = vector.shape_cast %get3A_223 : vector<1x16xf32> to vector<16xf32>
          %swap3A_225 = arith.index_cast %sub3A_203 : i32 to index
          %swap3A_226 = arith.constant 32 : index
          %swap3A_227 = tpu.vector_load %arg15[%swap3A_225, %swap3A_226] {strides = array<i32>} : memref<640x64xf32, #tpu.memory_space<vmem>>, vector<1x16xf32>,
          %swap3A_228 = vector.shape_cast %swap3A_227 : vector<1x16xf32> to vector<16xf32>
          %swap3A_229 = vector.shape_cast %get3A_224 : vector<16xf32> to vector<1x16xf32>
          tpu.vector_store %arg15[%swap3A_225, %swap3A_226], %swap3A_229 {add = true, strides = array<i32>} : memref<640x64xf32, #tpu.memory_space<vmem>>, vector<1x16xf32>,
          %get3A_230 = arith.index_cast %while3A_197 : i32 to index
          %get3A_231 = arith.constant 48 : index
          %get3A_232 = tpu.vector_load %arg14[%get3A_230, %get3A_231] {strides = array<i32>} : memref<256x64xf32, #tpu.memory_space<vmem>>, vector<1x16xf32>,
          %get3A_233 = vector.shape_cast %get3A_232 : vector<1x16xf32> to vector<16xf32>
          %swap3A_234 = arith.index_cast %sub3A_203 : i32 to index
          %swap3A_235 = arith.constant 48 : index
          %swap3A_236 = tpu.vector_load %arg15[%swap3A_234, %swap3A_235] {strides = array<i32>} : memref<640x64xf32, #tpu.memory_space<vmem>>, vector<1x16xf32>,
          %swap3A_237 = vector.shape_cast %swap3A_236 : vector<1x16xf32> to vector<16xf32>
          %swap3A_238 = vector.shape_cast %get3A_233 : vector<16xf32> to vector<1x16xf32>
          tpu.vector_store %arg15[%swap3A_234, %swap3A_235], %swap3A_238 {add = true, strides = array<i32>} : memref<640x64xf32, #tpu.memory_space<vmem>>, vector<1x16xf32>,
        }
      }
      %while3A_78 = arith.constant 1 : i32
      scf.for %while3A_175 = %while3A_76 to %while3A_72 step %while3A_78  : i32 {
        %mul3A_176 = arith.constant 256 : i32
        %mul3A_177 = arith.muli %while3A_175, %mul3A_176 : i32
        %add3A_178 = arith.addi %mul3A_40, %mul3A_177 : i32
        "tpu.region"() ({
          %run_scoped3A = tpu.sem_alloc : memref<!tpu.dma_semaphore, #tpu.memory_space<semaphore_mem>>
          %dma_start3A_197 = tpu.memref_slice %arg3[%add3A_178] : memref<320512xi32, #tpu.memory_space<hbm>> -> memref<256xi32, #tpu.memory_space<hbm>>
          %dma_start3A_198 = tpu.memref_slice %arg3[%add3A_178] : memref<320512xi32, #tpu.memory_space<hbm>> -> memref<256xi32, #tpu.memory_space<hbm>>
          tpu.enqueue_dma source(%dma_start3A_198 : memref<256xi32, #tpu.memory_space<hbm>>) target(%arg12 : memref<256xi32, #tpu.memory_space<vmem>>) target_semaphore(%run_scoped3A : memref<!tpu.dma_semaphore, #tpu.memory_space<semaphore_mem>>)
          %dma_wait3A_199 = tpu.memref_slice %arg3[%add3A_178] : memref<320512xi32, #tpu.memory_space<hbm>> -> memref<256xi32, #tpu.memory_space<hbm>>
          %dma_wait3A_200 = tpu.memref_slice %arg3[%add3A_178] : memref<320512xi32, #tpu.memory_space<hbm>> -> memref<256xi32, #tpu.memory_space<hbm>>
          tpu.wait_dma2 semaphore(%run_scoped3A : memref<!tpu.dma_semaphore, #tpu.memory_space<semaphore_mem>>) src(%dma_wait3A_200 : memref<256xi32, #tpu.memory_space<hbm>>) dst(%arg12 : memref<256xi32, #tpu.memory_space<vmem>>)
          tpu.yield
        }) : () -> ()
        "tpu.region"() ({
          %run_scoped3A = tpu.sem_alloc : memref<!tpu.dma_semaphore, #tpu.memory_space<semaphore_mem>>
          %dma_start3A_197 = arith.constant 0 : i32
          %dma_start3A_198 = tpu.memref_slice %arg13[%dma_start3A_197] : memref<272xi32, #tpu.memory_space<vmem>> -> memref<256xi32, #tpu.memory_space<vmem>>
          %dma_start3A_199 = tpu.memref_slice %arg4[%add3A_178] : memref<320512xi32, #tpu.memory_space<hbm>> -> memref<256xi32, #tpu.memory_space<hbm>>
          %dma_start3A_200 = arith.constant 0 : i32
          %dma_start3A_201 = tpu.memref_slice %arg13[%dma_start3A_200] : memref<272xi32, #tpu.memory_space<vmem>> -> memref<256xi32, #tpu.memory_space<vmem>>
          %dma_start3A_202 = tpu.memref_slice %arg4[%add3A_178] : memref<320512xi32, #tpu.memory_space<hbm>> -> memref<256xi32, #tpu.memory_space<hbm>>
          tpu.enqueue_dma source(%dma_start3A_202 : memref<256xi32, #tpu.memory_space<hbm>>) target(%dma_start3A_201 : memref<256xi32, #tpu.memory_space<vmem>>) target_semaphore(%run_scoped3A : memref<!tpu.dma_semaphore, #tpu.memory_space<semaphore_mem>>)
          %dma_wait3A_203 = arith.constant 0 : i32
          %dma_wait3A_204 = tpu.memref_slice %arg13[%dma_wait3A_203] : memref<272xi32, #tpu.memory_space<vmem>> -> memref<256xi32, #tpu.memory_space<vmem>>
          %dma_wait3A_205 = tpu.memref_slice %arg4[%add3A_178] : memref<320512xi32, #tpu.memory_space<hbm>> -> memref<256xi32, #tpu.memory_space<hbm>>
          %dma_wait3A_206 = arith.constant 0 : i32
          %dma_wait3A_207 = tpu.memref_slice %arg13[%dma_wait3A_206] : memref<272xi32, #tpu.memory_space<vmem>> -> memref<256xi32, #tpu.memory_space<vmem>>
          %dma_wait3A_208 = tpu.memref_slice %arg4[%add3A_178] : memref<320512xi32, #tpu.memory_space<hbm>> -> memref<256xi32, #tpu.memory_space<hbm>>
          tpu.wait_dma2 semaphore(%run_scoped3A : memref<!tpu.dma_semaphore, #tpu.memory_space<semaphore_mem>>) src(%dma_wait3A_208 : memref<256xi32, #tpu.memory_space<hbm>>) dst(%dma_wait3A_207 : memref<256xi32, #tpu.memory_space<vmem>>)
          tpu.yield
        }) : () -> ()
        %dma_start3A = arith.constant 0 : i32
        %dma_start3A_179 = arith.constant 0 : i32
        %dma_start3A_180 = tpu.memref_slice %arg10[%dma_start3A, %dma_start3A_179] : memref<10240x64xf32, #tpu.memory_space<hbm>> -> memref<10240x64xf32, #tpu.memory_space<hbm>>
        tpu.enqueue_indirect_dma source(%dma_start3A_180 : memref<10240x64xf32, #tpu.memory_space<hbm>>) target(%arg14 : memref<256x64xf32, #tpu.memory_space<vmem>>) offsets(%arg12 : memref<256xi32, #tpu.memory_space<vmem>>) semaphore(%arg21 : memref<!tpu.dma_semaphore, #tpu.memory_space<semaphore_mem>>)
        %dma_wait3A = arith.constant 0 : i32
        %dma_wait3A_181 = arith.constant 0 : i32
        %dma_wait3A_182 = tpu.memref_slice %arg10[%dma_wait3A, %dma_wait3A_181] : memref<10240x64xf32, #tpu.memory_space<hbm>> -> memref<10240x64xf32, #tpu.memory_space<hbm>>
        tpu.wait_indirect_dma semaphore(%arg21 : memref<!tpu.dma_semaphore, #tpu.memory_space<semaphore_mem>>) src(%dma_wait3A_182 : memref<10240x64xf32, #tpu.memory_space<hbm>>) dst(%arg14 : memref<256x64xf32, #tpu.memory_space<vmem>>)
        %sub3A_183 = arith.subi %squeeze3A, %add3A_178 : i32
        %max3A = arith.constant 0 : i32
        %max3A_184 = arith.maxsi %sub3A_183, %max3A : i32
        %add3A_185 = arith.addi %squeeze3A, %sub3A : i32
        %sub3A_186 = arith.subi %add3A_185, %add3A_178 : i32
        %min3A = arith.constant 256 : i32
        %min3A_187 = arith.minsi %sub3A_186, %min3A : i32
        %while3A_188 = arith.constant 0 : i32
        %while3A_189 = arith.subi %min3A_187, %max3A_184 : i32
        %while3A_190 = arith.addi %max3A_184, %while3A_189 : i32
        %while3A_191 = arith.constant 1 : i32
        %while3A_192 = arith.divsi %while3A_189, %while3A_191 : i32
        %while3A_193 = arith.muli %while3A_192, %while3A_191 : i32
        %while3A_194 = arith.addi %max3A_184, %while3A_193 : i32
        %while3A_195 = arith.constant 1 : i32
        scf.for %while3A_197 = %max3A_184 to %while3A_194 step %while3A_195  : i32 {
          %get3A_198 = arith.index_cast %while3A_197 : i32 to index
          %get3A_199 = tpu.vector_load %arg13[%get3A_198] {strides = array<i32>} : memref<272xi32, #tpu.memory_space<vmem>>, vector<16xi32>,
          %get3A_200 = vector.shape_cast %get3A_199 : vector<16xi32> to vector<16xi32>
          %slice3A_201 = vector.extract_strided_slice %get3A_200 {offsets = [0], sizes = [1], strides = [1]} : vector<16xi32> to vector<1xi32>
          %squeeze3A_202 = vector.extract %slice3A_201[0] : i32 from vector<1xi32>
          %sub3A_203 = arith.subi %squeeze3A_202, %mul3A_0 : i32
          %get3A_204 = arith.index_cast %while3A_197 : i32 to index
          %get3A_205 = arith.constant 0 : index
          %get3A_206 = tpu.vector_load %arg14[%get3A_204, %get3A_205] {strides = array<i32>} : memref<256x64xf32, #tpu.memory_space<vmem>>, vector<1x16xf32>,
          %get3A_207 = vector.shape_cast %get3A_206 : vector<1x16xf32> to vector<16xf32>
          %swap3A = arith.index_cast %sub3A_203 : i32 to index
          %swap3A_208 = arith.constant 0 : index
          %swap3A_209 = tpu.vector_load %arg15[%swap3A, %swap3A_208] {strides = array<i32>} : memref<640x64xf32, #tpu.memory_space<vmem>>, vector<1x16xf32>,
          %swap3A_210 = vector.shape_cast %swap3A_209 : vector<1x16xf32> to vector<16xf32>
          %swap3A_211 = vector.shape_cast %get3A_207 : vector<16xf32> to vector<1x16xf32>
          tpu.vector_store %arg15[%swap3A, %swap3A_208], %swap3A_211 {add = true, strides = array<i32>} : memref<640x64xf32, #tpu.memory_space<vmem>>, vector<1x16xf32>,
          %get3A_212 = arith.index_cast %while3A_197 : i32 to index
          %get3A_213 = arith.constant 16 : index
          %get3A_214 = tpu.vector_load %arg14[%get3A_212, %get3A_213] {strides = array<i32>} : memref<256x64xf32, #tpu.memory_space<vmem>>, vector<1x16xf32>,
          %get3A_215 = vector.shape_cast %get3A_214 : vector<1x16xf32> to vector<16xf32>
          %swap3A_216 = arith.index_cast %sub3A_203 : i32 to index
          %swap3A_217 = arith.constant 16 : index
          %swap3A_218 = tpu.vector_load %arg15[%swap3A_216, %swap3A_217] {strides = array<i32>} : memref<640x64xf32, #tpu.memory_space<vmem>>, vector<1x16xf32>,
          %swap3A_219 = vector.shape_cast %swap3A_218 : vector<1x16xf32> to vector<16xf32>
          %swap3A_220 = vector.shape_cast %get3A_215 : vector<16xf32> to vector<1x16xf32>
          tpu.vector_store %arg15[%swap3A_216, %swap3A_217], %swap3A_220 {add = true, strides = array<i32>} : memref<640x64xf32, #tpu.memory_space<vmem>>, vector<1x16xf32>,
          %get3A_221 = arith.index_cast %while3A_197 : i32 to index
          %get3A_222 = arith.constant 32 : index
          %get3A_223 = tpu.vector_load %arg14[%get3A_221, %get3A_222] {strides = array<i32>} : memref<256x64xf32, #tpu.memory_space<vmem>>, vector<1x16xf32>,
          %get3A_224 = vector.shape_cast %get3A_223 : vector<1x16xf32> to vector<16xf32>
          %swap3A_225 = arith.index_cast %sub3A_203 : i32 to index
          %swap3A_226 = arith.constant 32 : index
          %swap3A_227 = tpu.vector_load %arg15[%swap3A_225, %swap3A_226] {strides = array<i32>} : memref<640x64xf32, #tpu.memory_space<vmem>>, vector<1x16xf32>,
          %swap3A_228 = vector.shape_cast %swap3A_227 : vector<1x16xf32> to vector<16xf32>
          %swap3A_229 = vector.shape_cast %get3A_224 : vector<16xf32> to vector<1x16xf32>
          tpu.vector_store %arg15[%swap3A_225, %swap3A_226], %swap3A_229 {add = true, strides = array<i32>} : memref<640x64xf32, #tpu.memory_space<vmem>>, vector<1x16xf32>,
          %get3A_230 = arith.index_cast %while3A_197 : i32 to index
          %get3A_231 = arith.constant 48 : index
          %get3A_232 = tpu.vector_load %arg14[%get3A_230, %get3A_231] {strides = array<i32>} : memref<256x64xf32, #tpu.memory_space<vmem>>, vector<1x16xf32>,
          %get3A_233 = vector.shape_cast %get3A_232 : vector<1x16xf32> to vector<16xf32>
          %swap3A_234 = arith.index_cast %sub3A_203 : i32 to index
          %swap3A_235 = arith.constant 48 : index
          %swap3A_236 = tpu.vector_load %arg15[%swap3A_234, %swap3A_235] {strides = array<i32>} : memref<640x64xf32, #tpu.memory_space<vmem>>, vector<1x16xf32>,
          %swap3A_237 = vector.shape_cast %swap3A_236 : vector<1x16xf32> to vector<16xf32>
          %swap3A_238 = vector.shape_cast %get3A_233 : vector<16xf32> to vector<1x16xf32>
          tpu.vector_store %arg15[%swap3A_234, %swap3A_235], %swap3A_238 {add = true, strides = array<i32>} : memref<640x64xf32, #tpu.memory_space<vmem>>, vector<1x16xf32>,
        }
        %while3A_196 = arith.constant 1 : i32
        scf.for %while3A_197 = %while3A_194 to %while3A_190 step %while3A_196  : i32 {
          %get3A_198 = arith.index_cast %while3A_197 : i32 to index
          %get3A_199 = tpu.vector_load %arg13[%get3A_198] {strides = array<i32>} : memref<272xi32, #tpu.memory_space<vmem>>, vector<16xi32>,
          %get3A_200 = vector.shape_cast %get3A_199 : vector<16xi32> to vector<16xi32>
          %slice3A_201 = vector.extract_strided_slice %get3A_200 {offsets = [0], sizes = [1], strides = [1]} : vector<16xi32> to vector<1xi32>
          %squeeze3A_202 = vector.extract %slice3A_201[0] : i32 from vector<1xi32>
          %sub3A_203 = arith.subi %squeeze3A_202, %mul3A_0 : i32
          %get3A_204 = arith.index_cast %while3A_197 : i32 to index
          %get3A_205 = arith.constant 0 : index
          %get3A_206 = tpu.vector_load %arg14[%get3A_204, %get3A_205] {strides = array<i32>} : memref<256x64xf32, #tpu.memory_space<vmem>>, vector<1x16xf32>,
          %get3A_207 = vector.shape_cast %get3A_206 : vector<1x16xf32> to vector<16xf32>
          %swap3A = arith.index_cast %sub3A_203 : i32 to index
          %swap3A_208 = arith.constant 0 : index
          %swap3A_209 = tpu.vector_load %arg15[%swap3A, %swap3A_208] {strides = array<i32>} : memref<640x64xf32, #tpu.memory_space<vmem>>, vector<1x16xf32>,
          %swap3A_210 = vector.shape_cast %swap3A_209 : vector<1x16xf32> to vector<16xf32>
          %swap3A_211 = vector.shape_cast %get3A_207 : vector<16xf32> to vector<1x16xf32>
          tpu.vector_store %arg15[%swap3A, %swap3A_208], %swap3A_211 {add = true, strides = array<i32>} : memref<640x64xf32, #tpu.memory_space<vmem>>, vector<1x16xf32>,
          %get3A_212 = arith.index_cast %while3A_197 : i32 to index
          %get3A_213 = arith.constant 16 : index
          %get3A_214 = tpu.vector_load %arg14[%get3A_212, %get3A_213] {strides = array<i32>} : memref<256x64xf32, #tpu.memory_space<vmem>>, vector<1x16xf32>,
          %get3A_215 = vector.shape_cast %get3A_214 : vector<1x16xf32> to vector<16xf32>
          %swap3A_216 = arith.index_cast %sub3A_203 : i32 to index
          %swap3A_217 = arith.constant 16 : index
          %swap3A_218 = tpu.vector_load %arg15[%swap3A_216, %swap3A_217] {strides = array<i32>} : memref<640x64xf32, #tpu.memory_space<vmem>>, vector<1x16xf32>,
          %swap3A_219 = vector.shape_cast %swap3A_218 : vector<1x16xf32> to vector<16xf32>
          %swap3A_220 = vector.shape_cast %get3A_215 : vector<16xf32> to vector<1x16xf32>
          tpu.vector_store %arg15[%swap3A_216, %swap3A_217], %swap3A_220 {add = true, strides = array<i32>} : memref<640x64xf32, #tpu.memory_space<vmem>>, vector<1x16xf32>,
          %get3A_221 = arith.index_cast %while3A_197 : i32 to index
          %get3A_222 = arith.constant 32 : index
          %get3A_223 = tpu.vector_load %arg14[%get3A_221, %get3A_222] {strides = array<i32>} : memref<256x64xf32, #tpu.memory_space<vmem>>, vector<1x16xf32>,
          %get3A_224 = vector.shape_cast %get3A_223 : vector<1x16xf32> to vector<16xf32>
          %swap3A_225 = arith.index_cast %sub3A_203 : i32 to index
          %swap3A_226 = arith.constant 32 : index
          %swap3A_227 = tpu.vector_load %arg15[%swap3A_225, %swap3A_226] {strides = array<i32>} : memref<640x64xf32, #tpu.memory_space<vmem>>, vector<1x16xf32>,
          %swap3A_228 = vector.shape_cast %swap3A_227 : vector<1x16xf32> to vector<16xf32>
          %swap3A_229 = vector.shape_cast %get3A_224 : vector<16xf32> to vector<1x16xf32>
          tpu.vector_store %arg15[%swap3A_225, %swap3A_226], %swap3A_229 {add = true, strides = array<i32>} : memref<640x64xf32, #tpu.memory_space<vmem>>, vector<1x16xf32>,
          %get3A_230 = arith.index_cast %while3A_197 : i32 to index
          %get3A_231 = arith.constant 48 : index
          %get3A_232 = tpu.vector_load %arg14[%get3A_230, %get3A_231] {strides = array<i32>} : memref<256x64xf32, #tpu.memory_space<vmem>>, vector<1x16xf32>,
          %get3A_233 = vector.shape_cast %get3A_232 : vector<1x16xf32> to vector<16xf32>
          %swap3A_234 = arith.index_cast %sub3A_203 : i32 to index
          %swap3A_235 = arith.constant 48 : index
          %swap3A_236 = tpu.vector_load %arg15[%swap3A_234, %swap3A_235] {strides = array<i32>} : memref<640x64xf32, #tpu.memory_space<vmem>>, vector<1x16xf32>,
          %swap3A_237 = vector.shape_cast %swap3A_236 : vector<1x16xf32> to vector<16xf32>
          %swap3A_238 = vector.shape_cast %get3A_233 : vector<16xf32> to vector<1x16xf32>
          tpu.vector_store %arg15[%swap3A_234, %swap3A_235], %swap3A_238 {add = true, strides = array<i32>} : memref<640x64xf32, #tpu.memory_space<vmem>>, vector<1x16xf32>,
        }
      }
      %scan3A_79 = arith.constant 0 : i32
      %scan3A_80 = arith.constant 0 : i32
      %scan3A_81 = arith.constant 320 : i32
      %scan3A_82 = arith.addi %scan3A_80, %scan3A_81 : i32
      %scan3A_83 = arith.constant 1 : i32
      scf.for %scan3A_175 = %scan3A_80 to %scan3A_82 step %scan3A_83  : i32 {
        %get3A_176 = arith.index_cast %scan3A_175 : i32 to index
        %get3A_177 = tpu.vector_load %arg16[%get3A_176] {strides = array<i32>} : memref<336xf32, #tpu.memory_space<vmem>>, vector<16xf32>,
        %get3A_178 = vector.shape_cast %get3A_177 : vector<16xf32> to vector<16xf32>
        %slice3A_179 = vector.extract_strided_slice %get3A_178 {offsets = [0], sizes = [1], strides = [1]} : vector<16xf32> to vector<1xf32>
        %squeeze3A_180 = vector.extract %slice3A_179[0] : f32 from vector<1xf32>
        %get3A_181 = arith.index_cast %scan3A_175 : i32 to index
        %get3A_182 = arith.constant 0 : index
        %get3A_183 = tpu.vector_load %arg15[%get3A_181, %get3A_182] {strides = array<i32>} : memref<640x64xf32, #tpu.memory_space<vmem>>, vector<1x16xf32>,
        %get3A_184 = vector.shape_cast %get3A_183 : vector<1x16xf32> to vector<16xf32>
        %mul3A_185 = vector.broadcast %squeeze3A_180 : f32 to vector<16xf32>
        %mul3A_186 = arith.mulf %get3A_184, %mul3A_185 : vector<16xf32>
        %swap3A = arith.index_cast %scan3A_175 : i32 to index
        %swap3A_187 = arith.constant 0 : index
        %swap3A_188 = tpu.vector_load %arg15[%swap3A, %swap3A_187] {strides = array<i32>} : memref<640x64xf32, #tpu.memory_space<vmem>>, vector<1x16xf32>,
        %swap3A_189 = vector.shape_cast %swap3A_188 : vector<1x16xf32> to vector<16xf32>
        %swap3A_190 = vector.shape_cast %mul3A_186 : vector<16xf32> to vector<1x16xf32>
        tpu.vector_store %arg15[%swap3A, %swap3A_187], %swap3A_190 {strides = array<i32>} : memref<640x64xf32, #tpu.memory_space<vmem>>, vector<1x16xf32>,
        %get3A_191 = arith.index_cast %scan3A_175 : i32 to index
        %get3A_192 = arith.constant 16 : index
        %get3A_193 = tpu.vector_load %arg15[%get3A_191, %get3A_192] {strides = array<i32>} : memref<640x64xf32, #tpu.memory_space<vmem>>, vector<1x16xf32>,
        %get3A_194 = vector.shape_cast %get3A_193 : vector<1x16xf32> to vector<16xf32>
        %mul3A_195 = vector.broadcast %squeeze3A_180 : f32 to vector<16xf32>
        %mul3A_196 = arith.mulf %get3A_194, %mul3A_195 : vector<16xf32>
        %swap3A_197 = arith.index_cast %scan3A_175 : i32 to index
        %swap3A_198 = arith.constant 16 : index
        %swap3A_199 = tpu.vector_load %arg15[%swap3A_197, %swap3A_198] {strides = array<i32>} : memref<640x64xf32, #tpu.memory_space<vmem>>, vector<1x16xf32>,
        %swap3A_200 = vector.shape_cast %swap3A_199 : vector<1x16xf32> to vector<16xf32>
        %swap3A_201 = vector.shape_cast %mul3A_196 : vector<16xf32> to vector<1x16xf32>
        tpu.vector_store %arg15[%swap3A_197, %swap3A_198], %swap3A_201 {strides = array<i32>} : memref<640x64xf32, #tpu.memory_space<vmem>>, vector<1x16xf32>,
        %get3A_202 = arith.index_cast %scan3A_175 : i32 to index
        %get3A_203 = arith.constant 32 : index
        %get3A_204 = tpu.vector_load %arg15[%get3A_202, %get3A_203] {strides = array<i32>} : memref<640x64xf32, #tpu.memory_space<vmem>>, vector<1x16xf32>,
        %get3A_205 = vector.shape_cast %get3A_204 : vector<1x16xf32> to vector<16xf32>
        %mul3A_206 = vector.broadcast %squeeze3A_180 : f32 to vector<16xf32>
        %mul3A_207 = arith.mulf %get3A_205, %mul3A_206 : vector<16xf32>
        %swap3A_208 = arith.index_cast %scan3A_175 : i32 to index
        %swap3A_209 = arith.constant 32 : index
        %swap3A_210 = tpu.vector_load %arg15[%swap3A_208, %swap3A_209] {strides = array<i32>} : memref<640x64xf32, #tpu.memory_space<vmem>>, vector<1x16xf32>,
        %swap3A_211 = vector.shape_cast %swap3A_210 : vector<1x16xf32> to vector<16xf32>
        %swap3A_212 = vector.shape_cast %mul3A_207 : vector<16xf32> to vector<1x16xf32>
        tpu.vector_store %arg15[%swap3A_208, %swap3A_209], %swap3A_212 {strides = array<i32>} : memref<640x64xf32, #tpu.memory_space<vmem>>, vector<1x16xf32>,
        %get3A_213 = arith.index_cast %scan3A_175 : i32 to index
        %get3A_214 = arith.constant 48 : index
        %get3A_215 = tpu.vector_load %arg15[%get3A_213, %get3A_214] {strides = array<i32>} : memref<640x64xf32, #tpu.memory_space<vmem>>, vector<1x16xf32>,
        %get3A_216 = vector.shape_cast %get3A_215 : vector<1x16xf32> to vector<16xf32>
        %mul3A_217 = vector.broadcast %squeeze3A_180 : f32 to vector<16xf32>
        %mul3A_218 = arith.mulf %get3A_216, %mul3A_217 : vector<16xf32>
        %swap3A_219 = arith.index_cast %scan3A_175 : i32 to index
        %swap3A_220 = arith.constant 48 : index
        %swap3A_221 = tpu.vector_load %arg15[%swap3A_219, %swap3A_220] {strides = array<i32>} : memref<640x64xf32, #tpu.memory_space<vmem>>, vector<1x16xf32>,
        %swap3A_222 = vector.shape_cast %swap3A_221 : vector<1x16xf32> to vector<16xf32>
        %swap3A_223 = vector.shape_cast %mul3A_218 : vector<16xf32> to vector<1x16xf32>
        tpu.vector_store %arg15[%swap3A_219, %swap3A_220], %swap3A_223 {strides = array<i32>} : memref<640x64xf32, #tpu.memory_space<vmem>>, vector<1x16xf32>,
      }
      %scan3A_84 = arith.constant 320 : i32
      "tpu.region"() ({
        %run_scoped3A = tpu.sem_alloc : memref<!tpu.dma_semaphore, #tpu.memory_space<semaphore_mem>>
        %dma_start3A = arith.constant 0 : i32
        %dma_start3A_175 = arith.constant 0 : i32
        %dma_start3A_176 = tpu.memref_slice %arg15[%dma_start3A, %dma_start3A_175] : memref<640x64xf32, #tpu.memory_space<vmem>> -> memref<320x64xf32, #tpu.memory_space<vmem>>
        %dma_start3A_177 = arith.constant 0 : i32
        %dma_start3A_178 = tpu.memref_slice %arg11[%mul3A_0, %dma_start3A_177] : memref<5120x64xf32, #tpu.memory_space<hbm>> -> memref<320x64xf32, #tpu.memory_space<hbm>>
        %dma_start3A_179 = arith.constant 0 : i32
        %dma_start3A_180 = tpu.memref_slice %arg11[%mul3A_0, %dma_start3A_179] : memref<5120x64xf32, #tpu.memory_space<hbm>> -> memref<320x64xf32, #tpu.memory_space<hbm>>
        %dma_start3A_181 = arith.constant 0 : i32
        %dma_start3A_182 = arith.constant 0 : i32
        %dma_start3A_183 = tpu.memref_slice %arg15[%dma_start3A_181, %dma_start3A_182] : memref<640x64xf32, #tpu.memory_space<vmem>> -> memref<320x64xf32, #tpu.memory_space<vmem>>
        tpu.enqueue_dma source(%dma_start3A_183 : memref<320x64xf32, #tpu.memory_space<vmem>>) target(%dma_start3A_180 : memref<320x64xf32, #tpu.memory_space<hbm>>) target_semaphore(%run_scoped3A : memref<!tpu.dma_semaphore, #tpu.memory_space<semaphore_mem>>)
        %dma_wait3A = arith.constant 0 : i32
        %dma_wait3A_184 = arith.constant 0 : i32
        %dma_wait3A_185 = tpu.memref_slice %arg15[%dma_wait3A, %dma_wait3A_184] : memref<640x64xf32, #tpu.memory_space<vmem>> -> memref<320x64xf32, #tpu.memory_space<vmem>>
        %dma_wait3A_186 = arith.constant 0 : i32
        %dma_wait3A_187 = tpu.memref_slice %arg11[%mul3A_0, %dma_wait3A_186] : memref<5120x64xf32, #tpu.memory_space<hbm>> -> memref<320x64xf32, #tpu.memory_space<hbm>>
        %dma_wait3A_188 = arith.constant 0 : i32
        %dma_wait3A_189 = tpu.memref_slice %arg11[%mul3A_0, %dma_wait3A_188] : memref<5120x64xf32, #tpu.memory_space<hbm>> -> memref<320x64xf32, #tpu.memory_space<hbm>>
        %dma_wait3A_190 = arith.constant 0 : i32
        %dma_wait3A_191 = arith.constant 0 : i32
        %dma_wait3A_192 = tpu.memref_slice %arg15[%dma_wait3A_190, %dma_wait3A_191] : memref<640x64xf32, #tpu.memory_space<vmem>> -> memref<320x64xf32, #tpu.memory_space<vmem>>
        tpu.wait_dma2 semaphore(%run_scoped3A : memref<!tpu.dma_semaphore, #tpu.memory_space<semaphore_mem>>) src(%dma_wait3A_192 : memref<320x64xf32, #tpu.memory_space<vmem>>) dst(%dma_wait3A_189 : memref<320x64xf32, #tpu.memory_space<hbm>>)
        tpu.yield
      }) : () -> ()
      %barrier3A_85 = arith.constant 0 : index
      tpu.barrier barrier_id(%barrier3A_85)
      %scan3A_86 = arith.constant 0 : i32
      %scan3A_87 = arith.constant 0 : i32
      %scan3A_88 = arith.constant 640 : i32
      %scan3A_89 = arith.addi %scan3A_87, %scan3A_88 : i32
      %scan3A_90 = arith.constant 1 : i32
      scf.for %scan3A_175 = %scan3A_87 to %scan3A_89 step %scan3A_90  : i32 {
        %swap3A = arith.index_cast %scan3A_175 : i32 to index
        %swap3A_176 = arith.constant 0 : index
        %swap3A_177 = tpu.vector_load %arg15[%swap3A, %swap3A_176] {strides = array<i32>} : memref<640x64xf32, #tpu.memory_space<vmem>>, vector<1x16xf32>,
        %swap3A_178 = vector.shape_cast %swap3A_177 : vector<1x16xf32> to vector<16xf32>
        %swap3A_179 = vector.shape_cast %broadcast_in_dim3A_3 : vector<16xf32> to vector<1x16xf32>
        tpu.vector_store %arg15[%swap3A, %swap3A_176], %swap3A_179 {strides = array<i32>} : memref<640x64xf32, #tpu.memory_space<vmem>>, vector<1x16xf32>,
        %swap3A_180 = arith.index_cast %scan3A_175 : i32 to index
        %swap3A_181 = arith.constant 16 : index
        %swap3A_182 = tpu.vector_load %arg15[%swap3A_180, %swap3A_181] {strides = array<i32>} : memref<640x64xf32, #tpu.memory_space<vmem>>, vector<1x16xf32>,
        %swap3A_183 = vector.shape_cast %swap3A_182 : vector<1x16xf32> to vector<16xf32>
        %swap3A_184 = vector.shape_cast %broadcast_in_dim3A_3 : vector<16xf32> to vector<1x16xf32>
        tpu.vector_store %arg15[%swap3A_180, %swap3A_181], %swap3A_184 {strides = array<i32>} : memref<640x64xf32, #tpu.memory_space<vmem>>, vector<1x16xf32>,
        %swap3A_185 = arith.index_cast %scan3A_175 : i32 to index
        %swap3A_186 = arith.constant 32 : index
        %swap3A_187 = tpu.vector_load %arg15[%swap3A_185, %swap3A_186] {strides = array<i32>} : memref<640x64xf32, #tpu.memory_space<vmem>>, vector<1x16xf32>,
        %swap3A_188 = vector.shape_cast %swap3A_187 : vector<1x16xf32> to vector<16xf32>
        %swap3A_189 = vector.shape_cast %broadcast_in_dim3A_3 : vector<16xf32> to vector<1x16xf32>
        tpu.vector_store %arg15[%swap3A_185, %swap3A_186], %swap3A_189 {strides = array<i32>} : memref<640x64xf32, #tpu.memory_space<vmem>>, vector<1x16xf32>,
        %swap3A_190 = arith.index_cast %scan3A_175 : i32 to index
        %swap3A_191 = arith.constant 48 : index
        %swap3A_192 = tpu.vector_load %arg15[%swap3A_190, %swap3A_191] {strides = array<i32>} : memref<640x64xf32, #tpu.memory_space<vmem>>, vector<1x16xf32>,
        %swap3A_193 = vector.shape_cast %swap3A_192 : vector<1x16xf32> to vector<16xf32>
        %swap3A_194 = vector.shape_cast %broadcast_in_dim3A_3 : vector<16xf32> to vector<1x16xf32>
        tpu.vector_store %arg15[%swap3A_190, %swap3A_191], %swap3A_194 {strides = array<i32>} : memref<640x64xf32, #tpu.memory_space<vmem>>, vector<1x16xf32>,
      }
      %scan3A_91 = arith.constant 640 : i32
      %get3A_92 = arith.constant 1 : i32
      %get3A_93 = arith.index_cast %get3A_92 : i32 to index
      %get3A_94 = arith.index_cast %arg1 : i32 to index
      %get3A_95 = tpu.vector_load %arg20[%get3A_93, %get3A_94] {strides = array<i32>} : memref<2x32xi32, #tpu.memory_space<vmem>>, vector<1x16xi32>,
      %get3A_96 = vector.shape_cast %get3A_95 : vector<1x16xi32> to vector<16xi32>
      %slice3A_97 = vector.extract_strided_slice %get3A_96 {offsets = [0], sizes = [1], strides = [1]} : vector<16xi32> to vector<1xi32>
      %squeeze3A_98 = vector.extract %slice3A_97[0] : i32 from vector<1xi32>
      %slice3A_99 = vector.extract_strided_slice %get3A_96 {offsets = [1], sizes = [1], strides = [1]} : vector<16xi32> to vector<1xi32>
      %squeeze3A_100 = vector.extract %slice3A_99[0] : i32 from vector<1xi32>
      %sub3A_101 = arith.subi %squeeze3A_100, %squeeze3A_98 : i32
      %jit3A_102 = arith.constant 8 : i32
      %div3A_103 = arith.divsi %squeeze3A_98, %jit3A_102 : i32
      %sign3A_104 = arith.constant 0 : i32
      %sign3A_105 = arith.cmpi sgt, %squeeze3A_98, %sign3A_104 : i32
      %sign3A_106 = arith.extui %sign3A_105 : i1 to i32
      %sign3A_107 = arith.constant 0 : i32
      %sign3A_108 = arith.cmpi slt, %squeeze3A_98, %sign3A_107 : i32
      %sign3A_109 = arith.extui %sign3A_108 : i1 to i32
      %sign3A_110 = arith.subi %sign3A_106, %sign3A_109 : i32
      %sign3A_111 = arith.constant 0 : i32
      %sign3A_112 = arith.cmpi sgt, %jit3A_102, %sign3A_111 : i32
      %sign3A_113 = arith.extui %sign3A_112 : i1 to i32
      %sign3A_114 = arith.constant 0 : i32
      %sign3A_115 = arith.cmpi slt, %jit3A_102, %sign3A_114 : i32
      %sign3A_116 = arith.extui %sign3A_115 : i1 to i32
      %sign3A_117 = arith.subi %sign3A_113, %sign3A_116 : i32
      %ne3A_118 = arith.cmpi ne, %sign3A_110, %sign3A_117 : i32
      %rem3A_119 = arith.remsi %squeeze3A_98, %jit3A_102 : i32
      %ne3A_120 = arith.constant 0 : i32
      %ne3A_121 = arith.cmpi ne, %rem3A_119, %ne3A_120 : i32
      %and3A_122 = arith.andi %ne3A_118, %ne3A_121 : i1
      %sub3A_123 = arith.constant 1 : i32
      %sub3A_124 = arith.subi %div3A_103, %sub3A_123 : i32
      %select_n3A_125 = arith.select %and3A_122, %sub3A_124, %div3A_103 : i32
      %mul3A_126 = arith.constant 8 : i32
      %mul3A_127 = arith.muli %select_n3A_125, %mul3A_126 : i32
      %sub3A_128 = arith.subi %squeeze3A_98, %mul3A_127 : i32
      %add3A_129 = arith.addi %sub3A_128, %sub3A_101 : i32
      %add3A_130 = arith.constant 256 : i32
      %add3A_131 = arith.addi %add3A_129, %add3A_130 : i32
      %sub3A_132 = arith.constant 1 : i32
      %sub3A_133 = arith.subi %add3A_131, %sub3A_132 : i32
      %jit3A_134 = arith.constant 256 : i32
      %div3A_135 = arith.divsi %sub3A_133, %jit3A_134 : i32
      %sign3A_136 = arith.constant 0 : i32
      %sign3A_137 = arith.cmpi sgt, %sub3A_133, %sign3A_136 : i32
      %sign3A_138 = arith.extui %sign3A_137 : i1 to i32
      %sign3A_139 = arith.constant 0 : i32
      %sign3A_140 = arith.cmpi slt, %sub3A_133, %sign3A_139 : i32
      %sign3A_141 = arith.extui %sign3A_140 : i1 to i32
      %sign3A_142 = arith.subi %sign3A_138, %sign3A_141 : i32
      %sign3A_143 = arith.constant 0 : i32
      %sign3A_144 = arith.cmpi sgt, %jit3A_134, %sign3A_143 : i32
      %sign3A_145 = arith.extui %sign3A_144 : i1 to i32
      %sign3A_146 = arith.constant 0 : i32
      %sign3A_147 = arith.cmpi slt, %jit3A_134, %sign3A_146 : i32
      %sign3A_148 = arith.extui %sign3A_147 : i1 to i32
      %sign3A_149 = arith.subi %sign3A_145, %sign3A_148 : i32
      %ne3A_150 = arith.cmpi ne, %sign3A_142, %sign3A_149 : i32
      %rem3A_151 = arith.remsi %sub3A_133, %jit3A_134 : i32
      %ne3A_152 = arith.constant 0 : i32
      %ne3A_153 = arith.cmpi ne, %rem3A_151, %ne3A_152 : i32
      %and3A_154 = arith.andi %ne3A_150, %ne3A_153 : i1
      %sub3A_155 = arith.constant 1 : i32
      %sub3A_156 = arith.subi %div3A_135, %sub3A_155 : i32
      %select_n3A_157 = arith.select %and3A_154, %sub3A_156, %div3A_135 : i32
      %while3A_158 = arith.constant 0 : i32
      %while3A_159 = arith.constant 0 : i32
      %while3A_160 = arith.subi %select_n3A_157, %while3A_159 : i32
      %while3A_161 = arith.addi %while3A_159, %while3A_160 : i32
      %while3A_162 = arith.constant 1 : i32
      %while3A_163 = arith.divsi %while3A_160, %while3A_162 : i32
      %while3A_164 = arith.muli %while3A_163, %while3A_162 : i32
      %while3A_165 = arith.addi %while3A_159, %while3A_164 : i32
      %while3A_166 = arith.constant 1 : i32
      scf.for %while3A_175 = %while3A_159 to %while3A_165 step %while3A_166  : i32 {
        %mul3A_176 = arith.constant 256 : i32
        %mul3A_177 = arith.muli %while3A_175, %mul3A_176 : i32
        %add3A_178 = arith.addi %mul3A_127, %mul3A_177 : i32
        "tpu.region"() ({
          %run_scoped3A = tpu.sem_alloc : memref<!tpu.dma_semaphore, #tpu.memory_space<semaphore_mem>>
          %dma_start3A_197 = tpu.memref_slice %arg5[%add3A_178] : memref<320512xi32, #tpu.memory_space<hbm>> -> memref<256xi32, #tpu.memory_space<hbm>>
          %dma_start3A_198 = tpu.memref_slice %arg5[%add3A_178] : memref<320512xi32, #tpu.memory_space<hbm>> -> memref<256xi32, #tpu.memory_space<hbm>>
          tpu.enqueue_dma source(%dma_start3A_198 : memref<256xi32, #tpu.memory_space<hbm>>) target(%arg12 : memref<256xi32, #tpu.memory_space<vmem>>) target_semaphore(%run_scoped3A : memref<!tpu.dma_semaphore, #tpu.memory_space<semaphore_mem>>)
          %dma_wait3A_199 = tpu.memref_slice %arg5[%add3A_178] : memref<320512xi32, #tpu.memory_space<hbm>> -> memref<256xi32, #tpu.memory_space<hbm>>
          %dma_wait3A_200 = tpu.memref_slice %arg5[%add3A_178] : memref<320512xi32, #tpu.memory_space<hbm>> -> memref<256xi32, #tpu.memory_space<hbm>>
          tpu.wait_dma2 semaphore(%run_scoped3A : memref<!tpu.dma_semaphore, #tpu.memory_space<semaphore_mem>>) src(%dma_wait3A_200 : memref<256xi32, #tpu.memory_space<hbm>>) dst(%arg12 : memref<256xi32, #tpu.memory_space<vmem>>)
          tpu.yield
        }) : () -> ()
        "tpu.region"() ({
          %run_scoped3A = tpu.sem_alloc : memref<!tpu.dma_semaphore, #tpu.memory_space<semaphore_mem>>
          %dma_start3A_197 = arith.constant 0 : i32
          %dma_start3A_198 = tpu.memref_slice %arg13[%dma_start3A_197] : memref<272xi32, #tpu.memory_space<vmem>> -> memref<256xi32, #tpu.memory_space<vmem>>
          %dma_start3A_199 = tpu.memref_slice %arg6[%add3A_178] : memref<320512xi32, #tpu.memory_space<hbm>> -> memref<256xi32, #tpu.memory_space<hbm>>
          %dma_start3A_200 = arith.constant 0 : i32
          %dma_start3A_201 = tpu.memref_slice %arg13[%dma_start3A_200] : memref<272xi32, #tpu.memory_space<vmem>> -> memref<256xi32, #tpu.memory_space<vmem>>
          %dma_start3A_202 = tpu.memref_slice %arg6[%add3A_178] : memref<320512xi32, #tpu.memory_space<hbm>> -> memref<256xi32, #tpu.memory_space<hbm>>
          tpu.enqueue_dma source(%dma_start3A_202 : memref<256xi32, #tpu.memory_space<hbm>>) target(%dma_start3A_201 : memref<256xi32, #tpu.memory_space<vmem>>) target_semaphore(%run_scoped3A : memref<!tpu.dma_semaphore, #tpu.memory_space<semaphore_mem>>)
          %dma_wait3A_203 = arith.constant 0 : i32
          %dma_wait3A_204 = tpu.memref_slice %arg13[%dma_wait3A_203] : memref<272xi32, #tpu.memory_space<vmem>> -> memref<256xi32, #tpu.memory_space<vmem>>
          %dma_wait3A_205 = tpu.memref_slice %arg6[%add3A_178] : memref<320512xi32, #tpu.memory_space<hbm>> -> memref<256xi32, #tpu.memory_space<hbm>>
          %dma_wait3A_206 = arith.constant 0 : i32
          %dma_wait3A_207 = tpu.memref_slice %arg13[%dma_wait3A_206] : memref<272xi32, #tpu.memory_space<vmem>> -> memref<256xi32, #tpu.memory_space<vmem>>
          %dma_wait3A_208 = tpu.memref_slice %arg6[%add3A_178] : memref<320512xi32, #tpu.memory_space<hbm>> -> memref<256xi32, #tpu.memory_space<hbm>>
          tpu.wait_dma2 semaphore(%run_scoped3A : memref<!tpu.dma_semaphore, #tpu.memory_space<semaphore_mem>>) src(%dma_wait3A_208 : memref<256xi32, #tpu.memory_space<hbm>>) dst(%dma_wait3A_207 : memref<256xi32, #tpu.memory_space<vmem>>)
          tpu.yield
        }) : () -> ()
        %dma_start3A = arith.constant 0 : i32
        %dma_start3A_179 = arith.constant 0 : i32
        %dma_start3A_180 = tpu.memref_slice %arg11[%dma_start3A, %dma_start3A_179] : memref<5120x64xf32, #tpu.memory_space<hbm>> -> memref<5120x64xf32, #tpu.memory_space<hbm>>
        tpu.enqueue_indirect_dma source(%dma_start3A_180 : memref<5120x64xf32, #tpu.memory_space<hbm>>) target(%arg14 : memref<256x64xf32, #tpu.memory_space<vmem>>) offsets(%arg12 : memref<256xi32, #tpu.memory_space<vmem>>) semaphore(%arg21 : memref<!tpu.dma_semaphore, #tpu.memory_space<semaphore_mem>>)
        %dma_wait3A = arith.constant 0 : i32
        %dma_wait3A_181 = arith.constant 0 : i32
        %dma_wait3A_182 = tpu.memref_slice %arg11[%dma_wait3A, %dma_wait3A_181] : memref<5120x64xf32, #tpu.memory_space<hbm>> -> memref<5120x64xf32, #tpu.memory_space<hbm>>
        tpu.wait_indirect_dma semaphore(%arg21 : memref<!tpu.dma_semaphore, #tpu.memory_space<semaphore_mem>>) src(%dma_wait3A_182 : memref<5120x64xf32, #tpu.memory_space<hbm>>) dst(%arg14 : memref<256x64xf32, #tpu.memory_space<vmem>>)
        %sub3A_183 = arith.subi %squeeze3A_98, %add3A_178 : i32
        %max3A = arith.constant 0 : i32
        %max3A_184 = arith.maxsi %sub3A_183, %max3A : i32
        %add3A_185 = arith.addi %squeeze3A_98, %sub3A_101 : i32
        %sub3A_186 = arith.subi %add3A_185, %add3A_178 : i32
        %min3A = arith.constant 256 : i32
        %min3A_187 = arith.minsi %sub3A_186, %min3A : i32
        %while3A_188 = arith.constant 0 : i32
        %while3A_189 = arith.subi %min3A_187, %max3A_184 : i32
        %while3A_190 = arith.addi %max3A_184, %while3A_189 : i32
        %while3A_191 = arith.constant 1 : i32
        %while3A_192 = arith.divsi %while3A_189, %while3A_191 : i32
        %while3A_193 = arith.muli %while3A_192, %while3A_191 : i32
        %while3A_194 = arith.addi %max3A_184, %while3A_193 : i32
        %while3A_195 = arith.constant 1 : i32
        scf.for %while3A_197 = %max3A_184 to %while3A_194 step %while3A_195  : i32 {
          %get3A_198 = arith.index_cast %while3A_197 : i32 to index
          %get3A_199 = tpu.vector_load %arg13[%get3A_198] {strides = array<i32>} : memref<272xi32, #tpu.memory_space<vmem>>, vector<16xi32>,
          %get3A_200 = vector.shape_cast %get3A_199 : vector<16xi32> to vector<16xi32>
          %slice3A_201 = vector.extract_strided_slice %get3A_200 {offsets = [0], sizes = [1], strides = [1]} : vector<16xi32> to vector<1xi32>
          %squeeze3A_202 = vector.extract %slice3A_201[0] : i32 from vector<1xi32>
          %sub3A_203 = arith.subi %squeeze3A_202, %mul3A_2 : i32
          %get3A_204 = arith.index_cast %while3A_197 : i32 to index
          %get3A_205 = arith.constant 0 : index
          %get3A_206 = tpu.vector_load %arg14[%get3A_204, %get3A_205] {strides = array<i32>} : memref<256x64xf32, #tpu.memory_space<vmem>>, vector<1x16xf32>,
          %get3A_207 = vector.shape_cast %get3A_206 : vector<1x16xf32> to vector<16xf32>
          %swap3A = arith.index_cast %sub3A_203 : i32 to index
          %swap3A_208 = arith.constant 0 : index
          %swap3A_209 = tpu.vector_load %arg15[%swap3A, %swap3A_208] {strides = array<i32>} : memref<640x64xf32, #tpu.memory_space<vmem>>, vector<1x16xf32>,
          %swap3A_210 = vector.shape_cast %swap3A_209 : vector<1x16xf32> to vector<16xf32>
          %swap3A_211 = vector.shape_cast %get3A_207 : vector<16xf32> to vector<1x16xf32>
          tpu.vector_store %arg15[%swap3A, %swap3A_208], %swap3A_211 {add = true, strides = array<i32>} : memref<640x64xf32, #tpu.memory_space<vmem>>, vector<1x16xf32>,
          %get3A_212 = arith.index_cast %while3A_197 : i32 to index
          %get3A_213 = arith.constant 16 : index
          %get3A_214 = tpu.vector_load %arg14[%get3A_212, %get3A_213] {strides = array<i32>} : memref<256x64xf32, #tpu.memory_space<vmem>>, vector<1x16xf32>,
          %get3A_215 = vector.shape_cast %get3A_214 : vector<1x16xf32> to vector<16xf32>
          %swap3A_216 = arith.index_cast %sub3A_203 : i32 to index
          %swap3A_217 = arith.constant 16 : index
          %swap3A_218 = tpu.vector_load %arg15[%swap3A_216, %swap3A_217] {strides = array<i32>} : memref<640x64xf32, #tpu.memory_space<vmem>>, vector<1x16xf32>,
          %swap3A_219 = vector.shape_cast %swap3A_218 : vector<1x16xf32> to vector<16xf32>
          %swap3A_220 = vector.shape_cast %get3A_215 : vector<16xf32> to vector<1x16xf32>
          tpu.vector_store %arg15[%swap3A_216, %swap3A_217], %swap3A_220 {add = true, strides = array<i32>} : memref<640x64xf32, #tpu.memory_space<vmem>>, vector<1x16xf32>,
          %get3A_221 = arith.index_cast %while3A_197 : i32 to index
          %get3A_222 = arith.constant 32 : index
          %get3A_223 = tpu.vector_load %arg14[%get3A_221, %get3A_222] {strides = array<i32>} : memref<256x64xf32, #tpu.memory_space<vmem>>, vector<1x16xf32>,
          %get3A_224 = vector.shape_cast %get3A_223 : vector<1x16xf32> to vector<16xf32>
          %swap3A_225 = arith.index_cast %sub3A_203 : i32 to index
          %swap3A_226 = arith.constant 32 : index
          %swap3A_227 = tpu.vector_load %arg15[%swap3A_225, %swap3A_226] {strides = array<i32>} : memref<640x64xf32, #tpu.memory_space<vmem>>, vector<1x16xf32>,
          %swap3A_228 = vector.shape_cast %swap3A_227 : vector<1x16xf32> to vector<16xf32>
          %swap3A_229 = vector.shape_cast %get3A_224 : vector<16xf32> to vector<1x16xf32>
          tpu.vector_store %arg15[%swap3A_225, %swap3A_226], %swap3A_229 {add = true, strides = array<i32>} : memref<640x64xf32, #tpu.memory_space<vmem>>, vector<1x16xf32>,
          %get3A_230 = arith.index_cast %while3A_197 : i32 to index
          %get3A_231 = arith.constant 48 : index
          %get3A_232 = tpu.vector_load %arg14[%get3A_230, %get3A_231] {strides = array<i32>} : memref<256x64xf32, #tpu.memory_space<vmem>>, vector<1x16xf32>,
          %get3A_233 = vector.shape_cast %get3A_232 : vector<1x16xf32> to vector<16xf32>
          %swap3A_234 = arith.index_cast %sub3A_203 : i32 to index
          %swap3A_235 = arith.constant 48 : index
          %swap3A_236 = tpu.vector_load %arg15[%swap3A_234, %swap3A_235] {strides = array<i32>} : memref<640x64xf32, #tpu.memory_space<vmem>>, vector<1x16xf32>,
          %swap3A_237 = vector.shape_cast %swap3A_236 : vector<1x16xf32> to vector<16xf32>
          %swap3A_238 = vector.shape_cast %get3A_233 : vector<16xf32> to vector<1x16xf32>
          tpu.vector_store %arg15[%swap3A_234, %swap3A_235], %swap3A_238 {add = true, strides = array<i32>} : memref<640x64xf32, #tpu.memory_space<vmem>>, vector<1x16xf32>,
        }
        %while3A_196 = arith.constant 1 : i32
        scf.for %while3A_197 = %while3A_194 to %while3A_190 step %while3A_196  : i32 {
          %get3A_198 = arith.index_cast %while3A_197 : i32 to index
          %get3A_199 = tpu.vector_load %arg13[%get3A_198] {strides = array<i32>} : memref<272xi32, #tpu.memory_space<vmem>>, vector<16xi32>,
          %get3A_200 = vector.shape_cast %get3A_199 : vector<16xi32> to vector<16xi32>
          %slice3A_201 = vector.extract_strided_slice %get3A_200 {offsets = [0], sizes = [1], strides = [1]} : vector<16xi32> to vector<1xi32>
          %squeeze3A_202 = vector.extract %slice3A_201[0] : i32 from vector<1xi32>
          %sub3A_203 = arith.subi %squeeze3A_202, %mul3A_2 : i32
          %get3A_204 = arith.index_cast %while3A_197 : i32 to index
          %get3A_205 = arith.constant 0 : index
          %get3A_206 = tpu.vector_load %arg14[%get3A_204, %get3A_205] {strides = array<i32>} : memref<256x64xf32, #tpu.memory_space<vmem>>, vector<1x16xf32>,
          %get3A_207 = vector.shape_cast %get3A_206 : vector<1x16xf32> to vector<16xf32>
          %swap3A = arith.index_cast %sub3A_203 : i32 to index
          %swap3A_208 = arith.constant 0 : index
          %swap3A_209 = tpu.vector_load %arg15[%swap3A, %swap3A_208] {strides = array<i32>} : memref<640x64xf32, #tpu.memory_space<vmem>>, vector<1x16xf32>,
          %swap3A_210 = vector.shape_cast %swap3A_209 : vector<1x16xf32> to vector<16xf32>
          %swap3A_211 = vector.shape_cast %get3A_207 : vector<16xf32> to vector<1x16xf32>
          tpu.vector_store %arg15[%swap3A, %swap3A_208], %swap3A_211 {add = true, strides = array<i32>} : memref<640x64xf32, #tpu.memory_space<vmem>>, vector<1x16xf32>,
          %get3A_212 = arith.index_cast %while3A_197 : i32 to index
          %get3A_213 = arith.constant 16 : index
          %get3A_214 = tpu.vector_load %arg14[%get3A_212, %get3A_213] {strides = array<i32>} : memref<256x64xf32, #tpu.memory_space<vmem>>, vector<1x16xf32>,
          %get3A_215 = vector.shape_cast %get3A_214 : vector<1x16xf32> to vector<16xf32>
          %swap3A_216 = arith.index_cast %sub3A_203 : i32 to index
          %swap3A_217 = arith.constant 16 : index
          %swap3A_218 = tpu.vector_load %arg15[%swap3A_216, %swap3A_217] {strides = array<i32>} : memref<640x64xf32, #tpu.memory_space<vmem>>, vector<1x16xf32>,
          %swap3A_219 = vector.shape_cast %swap3A_218 : vector<1x16xf32> to vector<16xf32>
          %swap3A_220 = vector.shape_cast %get3A_215 : vector<16xf32> to vector<1x16xf32>
          tpu.vector_store %arg15[%swap3A_216, %swap3A_217], %swap3A_220 {add = true, strides = array<i32>} : memref<640x64xf32, #tpu.memory_space<vmem>>, vector<1x16xf32>,
          %get3A_221 = arith.index_cast %while3A_197 : i32 to index
          %get3A_222 = arith.constant 32 : index
          %get3A_223 = tpu.vector_load %arg14[%get3A_221, %get3A_222] {strides = array<i32>} : memref<256x64xf32, #tpu.memory_space<vmem>>, vector<1x16xf32>,
          %get3A_224 = vector.shape_cast %get3A_223 : vector<1x16xf32> to vector<16xf32>
          %swap3A_225 = arith.index_cast %sub3A_203 : i32 to index
          %swap3A_226 = arith.constant 32 : index
          %swap3A_227 = tpu.vector_load %arg15[%swap3A_225, %swap3A_226] {strides = array<i32>} : memref<640x64xf32, #tpu.memory_space<vmem>>, vector<1x16xf32>,
          %swap3A_228 = vector.shape_cast %swap3A_227 : vector<1x16xf32> to vector<16xf32>
          %swap3A_229 = vector.shape_cast %get3A_224 : vector<16xf32> to vector<1x16xf32>
          tpu.vector_store %arg15[%swap3A_225, %swap3A_226], %swap3A_229 {add = true, strides = array<i32>} : memref<640x64xf32, #tpu.memory_space<vmem>>, vector<1x16xf32>,
          %get3A_230 = arith.index_cast %while3A_197 : i32 to index
          %get3A_231 = arith.constant 48 : index
          %get3A_232 = tpu.vector_load %arg14[%get3A_230, %get3A_231] {strides = array<i32>} : memref<256x64xf32, #tpu.memory_space<vmem>>, vector<1x16xf32>,
          %get3A_233 = vector.shape_cast %get3A_232 : vector<1x16xf32> to vector<16xf32>
          %swap3A_234 = arith.index_cast %sub3A_203 : i32 to index
          %swap3A_235 = arith.constant 48 : index
          %swap3A_236 = tpu.vector_load %arg15[%swap3A_234, %swap3A_235] {strides = array<i32>} : memref<640x64xf32, #tpu.memory_space<vmem>>, vector<1x16xf32>,
          %swap3A_237 = vector.shape_cast %swap3A_236 : vector<1x16xf32> to vector<16xf32>
          %swap3A_238 = vector.shape_cast %get3A_233 : vector<16xf32> to vector<1x16xf32>
          tpu.vector_store %arg15[%swap3A_234, %swap3A_235], %swap3A_238 {add = true, strides = array<i32>} : memref<640x64xf32, #tpu.memory_space<vmem>>, vector<1x16xf32>,
        }
      }
      %while3A_167 = arith.constant 1 : i32
      scf.for %while3A_175 = %while3A_165 to %while3A_161 step %while3A_167  : i32 {
        %mul3A_176 = arith.constant 256 : i32
        %mul3A_177 = arith.muli %while3A_175, %mul3A_176 : i32
        %add3A_178 = arith.addi %mul3A_127, %mul3A_177 : i32
        "tpu.region"() ({
          %run_scoped3A = tpu.sem_alloc : memref<!tpu.dma_semaphore, #tpu.memory_space<semaphore_mem>>
          %dma_start3A_197 = tpu.memref_slice %arg5[%add3A_178] : memref<320512xi32, #tpu.memory_space<hbm>> -> memref<256xi32, #tpu.memory_space<hbm>>
          %dma_start3A_198 = tpu.memref_slice %arg5[%add3A_178] : memref<320512xi32, #tpu.memory_space<hbm>> -> memref<256xi32, #tpu.memory_space<hbm>>
          tpu.enqueue_dma source(%dma_start3A_198 : memref<256xi32, #tpu.memory_space<hbm>>) target(%arg12 : memref<256xi32, #tpu.memory_space<vmem>>) target_semaphore(%run_scoped3A : memref<!tpu.dma_semaphore, #tpu.memory_space<semaphore_mem>>)
          %dma_wait3A_199 = tpu.memref_slice %arg5[%add3A_178] : memref<320512xi32, #tpu.memory_space<hbm>> -> memref<256xi32, #tpu.memory_space<hbm>>
          %dma_wait3A_200 = tpu.memref_slice %arg5[%add3A_178] : memref<320512xi32, #tpu.memory_space<hbm>> -> memref<256xi32, #tpu.memory_space<hbm>>
          tpu.wait_dma2 semaphore(%run_scoped3A : memref<!tpu.dma_semaphore, #tpu.memory_space<semaphore_mem>>) src(%dma_wait3A_200 : memref<256xi32, #tpu.memory_space<hbm>>) dst(%arg12 : memref<256xi32, #tpu.memory_space<vmem>>)
          tpu.yield
        }) : () -> ()
        "tpu.region"() ({
          %run_scoped3A = tpu.sem_alloc : memref<!tpu.dma_semaphore, #tpu.memory_space<semaphore_mem>>
          %dma_start3A_197 = arith.constant 0 : i32
          %dma_start3A_198 = tpu.memref_slice %arg13[%dma_start3A_197] : memref<272xi32, #tpu.memory_space<vmem>> -> memref<256xi32, #tpu.memory_space<vmem>>
          %dma_start3A_199 = tpu.memref_slice %arg6[%add3A_178] : memref<320512xi32, #tpu.memory_space<hbm>> -> memref<256xi32, #tpu.memory_space<hbm>>
          %dma_start3A_200 = arith.constant 0 : i32
          %dma_start3A_201 = tpu.memref_slice %arg13[%dma_start3A_200] : memref<272xi32, #tpu.memory_space<vmem>> -> memref<256xi32, #tpu.memory_space<vmem>>
          %dma_start3A_202 = tpu.memref_slice %arg6[%add3A_178] : memref<320512xi32, #tpu.memory_space<hbm>> -> memref<256xi32, #tpu.memory_space<hbm>>
          tpu.enqueue_dma source(%dma_start3A_202 : memref<256xi32, #tpu.memory_space<hbm>>) target(%dma_start3A_201 : memref<256xi32, #tpu.memory_space<vmem>>) target_semaphore(%run_scoped3A : memref<!tpu.dma_semaphore, #tpu.memory_space<semaphore_mem>>)
          %dma_wait3A_203 = arith.constant 0 : i32
          %dma_wait3A_204 = tpu.memref_slice %arg13[%dma_wait3A_203] : memref<272xi32, #tpu.memory_space<vmem>> -> memref<256xi32, #tpu.memory_space<vmem>>
          %dma_wait3A_205 = tpu.memref_slice %arg6[%add3A_178] : memref<320512xi32, #tpu.memory_space<hbm>> -> memref<256xi32, #tpu.memory_space<hbm>>
          %dma_wait3A_206 = arith.constant 0 : i32
          %dma_wait3A_207 = tpu.memref_slice %arg13[%dma_wait3A_206] : memref<272xi32, #tpu.memory_space<vmem>> -> memref<256xi32, #tpu.memory_space<vmem>>
          %dma_wait3A_208 = tpu.memref_slice %arg6[%add3A_178] : memref<320512xi32, #tpu.memory_space<hbm>> -> memref<256xi32, #tpu.memory_space<hbm>>
          tpu.wait_dma2 semaphore(%run_scoped3A : memref<!tpu.dma_semaphore, #tpu.memory_space<semaphore_mem>>) src(%dma_wait3A_208 : memref<256xi32, #tpu.memory_space<hbm>>) dst(%dma_wait3A_207 : memref<256xi32, #tpu.memory_space<vmem>>)
          tpu.yield
        }) : () -> ()
        %dma_start3A = arith.constant 0 : i32
        %dma_start3A_179 = arith.constant 0 : i32
        %dma_start3A_180 = tpu.memref_slice %arg11[%dma_start3A, %dma_start3A_179] : memref<5120x64xf32, #tpu.memory_space<hbm>> -> memref<5120x64xf32, #tpu.memory_space<hbm>>
        tpu.enqueue_indirect_dma source(%dma_start3A_180 : memref<5120x64xf32, #tpu.memory_space<hbm>>) target(%arg14 : memref<256x64xf32, #tpu.memory_space<vmem>>) offsets(%arg12 : memref<256xi32, #tpu.memory_space<vmem>>) semaphore(%arg21 : memref<!tpu.dma_semaphore, #tpu.memory_space<semaphore_mem>>)
        %dma_wait3A = arith.constant 0 : i32
        %dma_wait3A_181 = arith.constant 0 : i32
        %dma_wait3A_182 = tpu.memref_slice %arg11[%dma_wait3A, %dma_wait3A_181] : memref<5120x64xf32, #tpu.memory_space<hbm>> -> memref<5120x64xf32, #tpu.memory_space<hbm>>
        tpu.wait_indirect_dma semaphore(%arg21 : memref<!tpu.dma_semaphore, #tpu.memory_space<semaphore_mem>>) src(%dma_wait3A_182 : memref<5120x64xf32, #tpu.memory_space<hbm>>) dst(%arg14 : memref<256x64xf32, #tpu.memory_space<vmem>>)
        %sub3A_183 = arith.subi %squeeze3A_98, %add3A_178 : i32
        %max3A = arith.constant 0 : i32
        %max3A_184 = arith.maxsi %sub3A_183, %max3A : i32
        %add3A_185 = arith.addi %squeeze3A_98, %sub3A_101 : i32
        %sub3A_186 = arith.subi %add3A_185, %add3A_178 : i32
        %min3A = arith.constant 256 : i32
        %min3A_187 = arith.minsi %sub3A_186, %min3A : i32
        %while3A_188 = arith.constant 0 : i32
        %while3A_189 = arith.subi %min3A_187, %max3A_184 : i32
        %while3A_190 = arith.addi %max3A_184, %while3A_189 : i32
        %while3A_191 = arith.constant 1 : i32
        %while3A_192 = arith.divsi %while3A_189, %while3A_191 : i32
        %while3A_193 = arith.muli %while3A_192, %while3A_191 : i32
        %while3A_194 = arith.addi %max3A_184, %while3A_193 : i32
        %while3A_195 = arith.constant 1 : i32
        scf.for %while3A_197 = %max3A_184 to %while3A_194 step %while3A_195  : i32 {
          %get3A_198 = arith.index_cast %while3A_197 : i32 to index
          %get3A_199 = tpu.vector_load %arg13[%get3A_198] {strides = array<i32>} : memref<272xi32, #tpu.memory_space<vmem>>, vector<16xi32>,
          %get3A_200 = vector.shape_cast %get3A_199 : vector<16xi32> to vector<16xi32>
          %slice3A_201 = vector.extract_strided_slice %get3A_200 {offsets = [0], sizes = [1], strides = [1]} : vector<16xi32> to vector<1xi32>
          %squeeze3A_202 = vector.extract %slice3A_201[0] : i32 from vector<1xi32>
          %sub3A_203 = arith.subi %squeeze3A_202, %mul3A_2 : i32
          %get3A_204 = arith.index_cast %while3A_197 : i32 to index
          %get3A_205 = arith.constant 0 : index
          %get3A_206 = tpu.vector_load %arg14[%get3A_204, %get3A_205] {strides = array<i32>} : memref<256x64xf32, #tpu.memory_space<vmem>>, vector<1x16xf32>,
          %get3A_207 = vector.shape_cast %get3A_206 : vector<1x16xf32> to vector<16xf32>
          %swap3A = arith.index_cast %sub3A_203 : i32 to index
          %swap3A_208 = arith.constant 0 : index
          %swap3A_209 = tpu.vector_load %arg15[%swap3A, %swap3A_208] {strides = array<i32>} : memref<640x64xf32, #tpu.memory_space<vmem>>, vector<1x16xf32>,
          %swap3A_210 = vector.shape_cast %swap3A_209 : vector<1x16xf32> to vector<16xf32>
          %swap3A_211 = vector.shape_cast %get3A_207 : vector<16xf32> to vector<1x16xf32>
          tpu.vector_store %arg15[%swap3A, %swap3A_208], %swap3A_211 {add = true, strides = array<i32>} : memref<640x64xf32, #tpu.memory_space<vmem>>, vector<1x16xf32>,
          %get3A_212 = arith.index_cast %while3A_197 : i32 to index
          %get3A_213 = arith.constant 16 : index
          %get3A_214 = tpu.vector_load %arg14[%get3A_212, %get3A_213] {strides = array<i32>} : memref<256x64xf32, #tpu.memory_space<vmem>>, vector<1x16xf32>,
          %get3A_215 = vector.shape_cast %get3A_214 : vector<1x16xf32> to vector<16xf32>
          %swap3A_216 = arith.index_cast %sub3A_203 : i32 to index
          %swap3A_217 = arith.constant 16 : index
          %swap3A_218 = tpu.vector_load %arg15[%swap3A_216, %swap3A_217] {strides = array<i32>} : memref<640x64xf32, #tpu.memory_space<vmem>>, vector<1x16xf32>,
          %swap3A_219 = vector.shape_cast %swap3A_218 : vector<1x16xf32> to vector<16xf32>
          %swap3A_220 = vector.shape_cast %get3A_215 : vector<16xf32> to vector<1x16xf32>
          tpu.vector_store %arg15[%swap3A_216, %swap3A_217], %swap3A_220 {add = true, strides = array<i32>} : memref<640x64xf32, #tpu.memory_space<vmem>>, vector<1x16xf32>,
          %get3A_221 = arith.index_cast %while3A_197 : i32 to index
          %get3A_222 = arith.constant 32 : index
          %get3A_223 = tpu.vector_load %arg14[%get3A_221, %get3A_222] {strides = array<i32>} : memref<256x64xf32, #tpu.memory_space<vmem>>, vector<1x16xf32>,
          %get3A_224 = vector.shape_cast %get3A_223 : vector<1x16xf32> to vector<16xf32>
          %swap3A_225 = arith.index_cast %sub3A_203 : i32 to index
          %swap3A_226 = arith.constant 32 : index
          %swap3A_227 = tpu.vector_load %arg15[%swap3A_225, %swap3A_226] {strides = array<i32>} : memref<640x64xf32, #tpu.memory_space<vmem>>, vector<1x16xf32>,
          %swap3A_228 = vector.shape_cast %swap3A_227 : vector<1x16xf32> to vector<16xf32>
          %swap3A_229 = vector.shape_cast %get3A_224 : vector<16xf32> to vector<1x16xf32>
          tpu.vector_store %arg15[%swap3A_225, %swap3A_226], %swap3A_229 {add = true, strides = array<i32>} : memref<640x64xf32, #tpu.memory_space<vmem>>, vector<1x16xf32>,
          %get3A_230 = arith.index_cast %while3A_197 : i32 to index
          %get3A_231 = arith.constant 48 : index
          %get3A_232 = tpu.vector_load %arg14[%get3A_230, %get3A_231] {strides = array<i32>} : memref<256x64xf32, #tpu.memory_space<vmem>>, vector<1x16xf32>,
          %get3A_233 = vector.shape_cast %get3A_232 : vector<1x16xf32> to vector<16xf32>
          %swap3A_234 = arith.index_cast %sub3A_203 : i32 to index
          %swap3A_235 = arith.constant 48 : index
          %swap3A_236 = tpu.vector_load %arg15[%swap3A_234, %swap3A_235] {strides = array<i32>} : memref<640x64xf32, #tpu.memory_space<vmem>>, vector<1x16xf32>,
          %swap3A_237 = vector.shape_cast %swap3A_236 : vector<1x16xf32> to vector<16xf32>
          %swap3A_238 = vector.shape_cast %get3A_233 : vector<16xf32> to vector<1x16xf32>
          tpu.vector_store %arg15[%swap3A_234, %swap3A_235], %swap3A_238 {add = true, strides = array<i32>} : memref<640x64xf32, #tpu.memory_space<vmem>>, vector<1x16xf32>,
        }
        %while3A_196 = arith.constant 1 : i32
        scf.for %while3A_197 = %while3A_194 to %while3A_190 step %while3A_196  : i32 {
          %get3A_198 = arith.index_cast %while3A_197 : i32 to index
          %get3A_199 = tpu.vector_load %arg13[%get3A_198] {strides = array<i32>} : memref<272xi32, #tpu.memory_space<vmem>>, vector<16xi32>,
          %get3A_200 = vector.shape_cast %get3A_199 : vector<16xi32> to vector<16xi32>
          %slice3A_201 = vector.extract_strided_slice %get3A_200 {offsets = [0], sizes = [1], strides = [1]} : vector<16xi32> to vector<1xi32>
          %squeeze3A_202 = vector.extract %slice3A_201[0] : i32 from vector<1xi32>
          %sub3A_203 = arith.subi %squeeze3A_202, %mul3A_2 : i32
          %get3A_204 = arith.index_cast %while3A_197 : i32 to index
          %get3A_205 = arith.constant 0 : index
          %get3A_206 = tpu.vector_load %arg14[%get3A_204, %get3A_205] {strides = array<i32>} : memref<256x64xf32, #tpu.memory_space<vmem>>, vector<1x16xf32>,
          %get3A_207 = vector.shape_cast %get3A_206 : vector<1x16xf32> to vector<16xf32>
          %swap3A = arith.index_cast %sub3A_203 : i32 to index
          %swap3A_208 = arith.constant 0 : index
          %swap3A_209 = tpu.vector_load %arg15[%swap3A, %swap3A_208] {strides = array<i32>} : memref<640x64xf32, #tpu.memory_space<vmem>>, vector<1x16xf32>,
          %swap3A_210 = vector.shape_cast %swap3A_209 : vector<1x16xf32> to vector<16xf32>
          %swap3A_211 = vector.shape_cast %get3A_207 : vector<16xf32> to vector<1x16xf32>
          tpu.vector_store %arg15[%swap3A, %swap3A_208], %swap3A_211 {add = true, strides = array<i32>} : memref<640x64xf32, #tpu.memory_space<vmem>>, vector<1x16xf32>,
          %get3A_212 = arith.index_cast %while3A_197 : i32 to index
          %get3A_213 = arith.constant 16 : index
          %get3A_214 = tpu.vector_load %arg14[%get3A_212, %get3A_213] {strides = array<i32>} : memref<256x64xf32, #tpu.memory_space<vmem>>, vector<1x16xf32>,
          %get3A_215 = vector.shape_cast %get3A_214 : vector<1x16xf32> to vector<16xf32>
          %swap3A_216 = arith.index_cast %sub3A_203 : i32 to index
          %swap3A_217 = arith.constant 16 : index
          %swap3A_218 = tpu.vector_load %arg15[%swap3A_216, %swap3A_217] {strides = array<i32>} : memref<640x64xf32, #tpu.memory_space<vmem>>, vector<1x16xf32>,
          %swap3A_219 = vector.shape_cast %swap3A_218 : vector<1x16xf32> to vector<16xf32>
          %swap3A_220 = vector.shape_cast %get3A_215 : vector<16xf32> to vector<1x16xf32>
          tpu.vector_store %arg15[%swap3A_216, %swap3A_217], %swap3A_220 {add = true, strides = array<i32>} : memref<640x64xf32, #tpu.memory_space<vmem>>, vector<1x16xf32>,
          %get3A_221 = arith.index_cast %while3A_197 : i32 to index
          %get3A_222 = arith.constant 32 : index
          %get3A_223 = tpu.vector_load %arg14[%get3A_221, %get3A_222] {strides = array<i32>} : memref<256x64xf32, #tpu.memory_space<vmem>>, vector<1x16xf32>,
          %get3A_224 = vector.shape_cast %get3A_223 : vector<1x16xf32> to vector<16xf32>
          %swap3A_225 = arith.index_cast %sub3A_203 : i32 to index
          %swap3A_226 = arith.constant 32 : index
          %swap3A_227 = tpu.vector_load %arg15[%swap3A_225, %swap3A_226] {strides = array<i32>} : memref<640x64xf32, #tpu.memory_space<vmem>>, vector<1x16xf32>,
          %swap3A_228 = vector.shape_cast %swap3A_227 : vector<1x16xf32> to vector<16xf32>
          %swap3A_229 = vector.shape_cast %get3A_224 : vector<16xf32> to vector<1x16xf32>
          tpu.vector_store %arg15[%swap3A_225, %swap3A_226], %swap3A_229 {add = true, strides = array<i32>} : memref<640x64xf32, #tpu.memory_space<vmem>>, vector<1x16xf32>,
          %get3A_230 = arith.index_cast %while3A_197 : i32 to index
          %get3A_231 = arith.constant 48 : index
          %get3A_232 = tpu.vector_load %arg14[%get3A_230, %get3A_231] {strides = array<i32>} : memref<256x64xf32, #tpu.memory_space<vmem>>, vector<1x16xf32>,
          %get3A_233 = vector.shape_cast %get3A_232 : vector<1x16xf32> to vector<16xf32>
          %swap3A_234 = arith.index_cast %sub3A_203 : i32 to index
          %swap3A_235 = arith.constant 48 : index
          %swap3A_236 = tpu.vector_load %arg15[%swap3A_234, %swap3A_235] {strides = array<i32>} : memref<640x64xf32, #tpu.memory_space<vmem>>, vector<1x16xf32>,
          %swap3A_237 = vector.shape_cast %swap3A_236 : vector<1x16xf32> to vector<16xf32>
          %swap3A_238 = vector.shape_cast %get3A_233 : vector<16xf32> to vector<1x16xf32>
          tpu.vector_store %arg15[%swap3A_234, %swap3A_235], %swap3A_238 {add = true, strides = array<i32>} : memref<640x64xf32, #tpu.memory_space<vmem>>, vector<1x16xf32>,
        }
      }
      %scan3A_168 = arith.constant 0 : i32
      %scan3A_169 = arith.constant 0 : i32
      %scan3A_170 = arith.constant 5 : i32
      %scan3A_171 = arith.addi %scan3A_169, %scan3A_170 : i32
      %scan3A_172 = arith.constant 1 : i32
      scf.for %scan3A_175 = %scan3A_169 to %scan3A_171 step %scan3A_172  : i32 {
        %mul3A_176 = arith.constant 128 : i32
        %mul3A_177 = arith.muli %scan3A_175, %mul3A_176 : i32
        %add3A_178 = arith.addi %mul3A_2, %mul3A_177 : i32
        "tpu.region"() ({
          %run_scoped3A = tpu.sem_alloc : memref<!tpu.dma_semaphore, #tpu.memory_space<semaphore_mem>>
          %dma_start3A = arith.constant 0 : i32
          %dma_start3A_185 = tpu.memref_slice %arg2[%add3A_178, %dma_start3A] : memref<10240x64xf32, #tpu.memory_space<hbm>> -> memref<128x64xf32, #tpu.memory_space<hbm>>
          %dma_start3A_186 = arith.constant 0 : i32
          %dma_start3A_187 = tpu.memref_slice %arg2[%add3A_178, %dma_start3A_186] : memref<10240x64xf32, #tpu.memory_space<hbm>> -> memref<128x64xf32, #tpu.memory_space<hbm>>
          tpu.enqueue_dma source(%dma_start3A_187 : memref<128x64xf32, #tpu.memory_space<hbm>>) target(%arg19 : memref<128x64xf32, #tpu.memory_space<vmem>>) target_semaphore(%run_scoped3A : memref<!tpu.dma_semaphore, #tpu.memory_space<semaphore_mem>>)
          %dma_wait3A = arith.constant 0 : i32
          %dma_wait3A_188 = tpu.memref_slice %arg2[%add3A_178, %dma_wait3A] : memref<10240x64xf32, #tpu.memory_space<hbm>> -> memref<128x64xf32, #tpu.memory_space<hbm>>
          %dma_wait3A_189 = arith.constant 0 : i32
          %dma_wait3A_190 = tpu.memref_slice %arg2[%add3A_178, %dma_wait3A_189] : memref<10240x64xf32, #tpu.memory_space<hbm>> -> memref<128x64xf32, #tpu.memory_space<hbm>>
          tpu.wait_dma2 semaphore(%run_scoped3A : memref<!tpu.dma_semaphore, #tpu.memory_space<semaphore_mem>>) src(%dma_wait3A_190 : memref<128x64xf32, #tpu.memory_space<hbm>>) dst(%arg19 : memref<128x64xf32, #tpu.memory_space<vmem>>)
          tpu.yield
        }) : () -> ()
        %scan3A_179 = arith.constant 0 : i32
        %scan3A_180 = arith.constant 0 : i32
        %scan3A_181 = arith.constant 128 : i32
        %scan3A_182 = arith.addi %scan3A_180, %scan3A_181 : i32
        %scan3A_183 = arith.constant 1 : i32
        scf.for %scan3A_185 = %scan3A_180 to %scan3A_182 step %scan3A_183  : i32 {
          %mul3A_186 = arith.constant 128 : i32
          %mul3A_187 = arith.muli %scan3A_175, %mul3A_186 : i32
          %add3A_188 = arith.addi %mul3A_187, %scan3A_185 : i32
          %get3A_189 = arith.index_cast %add3A_188 : i32 to index
          %get3A_190 = tpu.vector_load %arg17[%get3A_189] {strides = array<i32>} : memref<656xf32, #tpu.memory_space<vmem>>, vector<16xf32>,
          %get3A_191 = vector.shape_cast %get3A_190 : vector<16xf32> to vector<16xf32>
          %slice3A_192 = vector.extract_strided_slice %get3A_191 {offsets = [0], sizes = [1], strides = [1]} : vector<16xf32> to vector<1xf32>
          %squeeze3A_193 = vector.extract %slice3A_192[0] : f32 from vector<1xf32>
          %get3A_194 = arith.index_cast %add3A_188 : i32 to index
          %get3A_195 = arith.constant 0 : index
          %get3A_196 = tpu.vector_load %arg18[%get3A_194, %get3A_195] {strides = array<i32>} : memref<640x64xf32, #tpu.memory_space<vmem>>, vector<1x16xf32>,
          %get3A_197 = vector.shape_cast %get3A_196 : vector<1x16xf32> to vector<16xf32>
          %mul3A_198 = arith.constant 0.899999976 : f32
          %mul3A_199 = vector.broadcast %mul3A_198 : f32 to vector<16xf32>
          %mul3A_200 = arith.mulf %mul3A_199, %get3A_197 : vector<16xf32>
          %mul3A_201 = arith.constant 1.000000e-01 : f32
          %mul3A_202 = arith.mulf %mul3A_201, %squeeze3A_193 : f32
          %get3A_203 = arith.index_cast %add3A_188 : i32 to index
          %get3A_204 = arith.constant 0 : index
          %get3A_205 = tpu.vector_load %arg15[%get3A_203, %get3A_204] {strides = array<i32>} : memref<640x64xf32, #tpu.memory_space<vmem>>, vector<1x16xf32>,
          %get3A_206 = vector.shape_cast %get3A_205 : vector<1x16xf32> to vector<16xf32>
          %get3A_207 = arith.index_cast %scan3A_185 : i32 to index
          %get3A_208 = arith.constant 0 : index
          %get3A_209 = tpu.vector_load %arg19[%get3A_207, %get3A_208] {strides = array<i32>} : memref<128x64xf32, #tpu.memory_space<vmem>>, vector<1x16xf32>,
          %get3A_210 = vector.shape_cast %get3A_209 : vector<1x16xf32> to vector<16xf32>
          %add3A_211 = arith.addf %get3A_206, %get3A_210 : vector<16xf32>
          %mul3A_212 = vector.broadcast %mul3A_202 : f32 to vector<16xf32>
          %mul3A_213 = arith.mulf %mul3A_212, %add3A_211 : vector<16xf32>
          %add3A_214 = arith.addf %mul3A_200, %mul3A_213 : vector<16xf32>
          %max3A = arith.constant 0.000000e+00 : f32
          %max3A_215 = vector.broadcast %max3A : f32 to vector<16xf32>
          %max3A_216 = arith.maximumf %add3A_214, %max3A_215 : vector<16xf32>
          %swap3A = arith.index_cast %add3A_188 : i32 to index
          %swap3A_217 = arith.constant 0 : index
          %swap3A_218 = tpu.vector_load %arg18[%swap3A, %swap3A_217] {strides = array<i32>} : memref<640x64xf32, #tpu.memory_space<vmem>>, vector<1x16xf32>,
          %swap3A_219 = vector.shape_cast %swap3A_218 : vector<1x16xf32> to vector<16xf32>
          %swap3A_220 = vector.shape_cast %max3A_216 : vector<16xf32> to vector<1x16xf32>
          tpu.vector_store %arg18[%swap3A, %swap3A_217], %swap3A_220 {strides = array<i32>} : memref<640x64xf32, #tpu.memory_space<vmem>>, vector<1x16xf32>,
          %get3A_221 = arith.index_cast %add3A_188 : i32 to index
          %get3A_222 = arith.constant 16 : index
          %get3A_223 = tpu.vector_load %arg18[%get3A_221, %get3A_222] {strides = array<i32>} : memref<640x64xf32, #tpu.memory_space<vmem>>, vector<1x16xf32>,
          %get3A_224 = vector.shape_cast %get3A_223 : vector<1x16xf32> to vector<16xf32>
          %mul3A_225 = arith.constant 0.899999976 : f32
          %mul3A_226 = vector.broadcast %mul3A_225 : f32 to vector<16xf32>
          %mul3A_227 = arith.mulf %mul3A_226, %get3A_224 : vector<16xf32>
          %mul3A_228 = arith.constant 1.000000e-01 : f32
          %mul3A_229 = arith.mulf %mul3A_228, %squeeze3A_193 : f32
          %get3A_230 = arith.index_cast %add3A_188 : i32 to index
          %get3A_231 = arith.constant 16 : index
          %get3A_232 = tpu.vector_load %arg15[%get3A_230, %get3A_231] {strides = array<i32>} : memref<640x64xf32, #tpu.memory_space<vmem>>, vector<1x16xf32>,
          %get3A_233 = vector.shape_cast %get3A_232 : vector<1x16xf32> to vector<16xf32>
          %get3A_234 = arith.index_cast %scan3A_185 : i32 to index
          %get3A_235 = arith.constant 16 : index
          %get3A_236 = tpu.vector_load %arg19[%get3A_234, %get3A_235] {strides = array<i32>} : memref<128x64xf32, #tpu.memory_space<vmem>>, vector<1x16xf32>,
          %get3A_237 = vector.shape_cast %get3A_236 : vector<1x16xf32> to vector<16xf32>
          %add3A_238 = arith.addf %get3A_233, %get3A_237 : vector<16xf32>
          %mul3A_239 = vector.broadcast %mul3A_229 : f32 to vector<16xf32>
          %mul3A_240 = arith.mulf %mul3A_239, %add3A_238 : vector<16xf32>
          %add3A_241 = arith.addf %mul3A_227, %mul3A_240 : vector<16xf32>
          %max3A_242 = arith.constant 0.000000e+00 : f32
          %max3A_243 = vector.broadcast %max3A_242 : f32 to vector<16xf32>
          %max3A_244 = arith.maximumf %add3A_241, %max3A_243 : vector<16xf32>
          %swap3A_245 = arith.index_cast %add3A_188 : i32 to index
          %swap3A_246 = arith.constant 16 : index
          %swap3A_247 = tpu.vector_load %arg18[%swap3A_245, %swap3A_246] {strides = array<i32>} : memref<640x64xf32, #tpu.memory_space<vmem>>, vector<1x16xf32>,
          %swap3A_248 = vector.shape_cast %swap3A_247 : vector<1x16xf32> to vector<16xf32>
          %swap3A_249 = vector.shape_cast %max3A_244 : vector<16xf32> to vector<1x16xf32>
          tpu.vector_store %arg18[%swap3A_245, %swap3A_246], %swap3A_249 {strides = array<i32>} : memref<640x64xf32, #tpu.memory_space<vmem>>, vector<1x16xf32>,
          %get3A_250 = arith.index_cast %add3A_188 : i32 to index
          %get3A_251 = arith.constant 32 : index
          %get3A_252 = tpu.vector_load %arg18[%get3A_250, %get3A_251] {strides = array<i32>} : memref<640x64xf32, #tpu.memory_space<vmem>>, vector<1x16xf32>,
          %get3A_253 = vector.shape_cast %get3A_252 : vector<1x16xf32> to vector<16xf32>
          %mul3A_254 = arith.constant 0.899999976 : f32
          %mul3A_255 = vector.broadcast %mul3A_254 : f32 to vector<16xf32>
          %mul3A_256 = arith.mulf %mul3A_255, %get3A_253 : vector<16xf32>
          %mul3A_257 = arith.constant 1.000000e-01 : f32
          %mul3A_258 = arith.mulf %mul3A_257, %squeeze3A_193 : f32
          %get3A_259 = arith.index_cast %add3A_188 : i32 to index
          %get3A_260 = arith.constant 32 : index
          %get3A_261 = tpu.vector_load %arg15[%get3A_259, %get3A_260] {strides = array<i32>} : memref<640x64xf32, #tpu.memory_space<vmem>>, vector<1x16xf32>,
          %get3A_262 = vector.shape_cast %get3A_261 : vector<1x16xf32> to vector<16xf32>
          %get3A_263 = arith.index_cast %scan3A_185 : i32 to index
          %get3A_264 = arith.constant 32 : index
          %get3A_265 = tpu.vector_load %arg19[%get3A_263, %get3A_264] {strides = array<i32>} : memref<128x64xf32, #tpu.memory_space<vmem>>, vector<1x16xf32>,
          %get3A_266 = vector.shape_cast %get3A_265 : vector<1x16xf32> to vector<16xf32>
          %add3A_267 = arith.addf %get3A_262, %get3A_266 : vector<16xf32>
          %mul3A_268 = vector.broadcast %mul3A_258 : f32 to vector<16xf32>
          %mul3A_269 = arith.mulf %mul3A_268, %add3A_267 : vector<16xf32>
          %add3A_270 = arith.addf %mul3A_256, %mul3A_269 : vector<16xf32>
          %max3A_271 = arith.constant 0.000000e+00 : f32
          %max3A_272 = vector.broadcast %max3A_271 : f32 to vector<16xf32>
          %max3A_273 = arith.maximumf %add3A_270, %max3A_272 : vector<16xf32>
          %swap3A_274 = arith.index_cast %add3A_188 : i32 to index
          %swap3A_275 = arith.constant 32 : index
          %swap3A_276 = tpu.vector_load %arg18[%swap3A_274, %swap3A_275] {strides = array<i32>} : memref<640x64xf32, #tpu.memory_space<vmem>>, vector<1x16xf32>,
          %swap3A_277 = vector.shape_cast %swap3A_276 : vector<1x16xf32> to vector<16xf32>
          %swap3A_278 = vector.shape_cast %max3A_273 : vector<16xf32> to vector<1x16xf32>
          tpu.vector_store %arg18[%swap3A_274, %swap3A_275], %swap3A_278 {strides = array<i32>} : memref<640x64xf32, #tpu.memory_space<vmem>>, vector<1x16xf32>,
          %get3A_279 = arith.index_cast %add3A_188 : i32 to index
          %get3A_280 = arith.constant 48 : index
          %get3A_281 = tpu.vector_load %arg18[%get3A_279, %get3A_280] {strides = array<i32>} : memref<640x64xf32, #tpu.memory_space<vmem>>, vector<1x16xf32>,
          %get3A_282 = vector.shape_cast %get3A_281 : vector<1x16xf32> to vector<16xf32>
          %mul3A_283 = arith.constant 0.899999976 : f32
          %mul3A_284 = vector.broadcast %mul3A_283 : f32 to vector<16xf32>
          %mul3A_285 = arith.mulf %mul3A_284, %get3A_282 : vector<16xf32>
          %mul3A_286 = arith.constant 1.000000e-01 : f32
          %mul3A_287 = arith.mulf %mul3A_286, %squeeze3A_193 : f32
          %get3A_288 = arith.index_cast %add3A_188 : i32 to index
          %get3A_289 = arith.constant 48 : index
          %get3A_290 = tpu.vector_load %arg15[%get3A_288, %get3A_289] {strides = array<i32>} : memref<640x64xf32, #tpu.memory_space<vmem>>, vector<1x16xf32>,
          %get3A_291 = vector.shape_cast %get3A_290 : vector<1x16xf32> to vector<16xf32>
          %get3A_292 = arith.index_cast %scan3A_185 : i32 to index
          %get3A_293 = arith.constant 48 : index
          %get3A_294 = tpu.vector_load %arg19[%get3A_292, %get3A_293] {strides = array<i32>} : memref<128x64xf32, #tpu.memory_space<vmem>>, vector<1x16xf32>,
          %get3A_295 = vector.shape_cast %get3A_294 : vector<1x16xf32> to vector<16xf32>
          %add3A_296 = arith.addf %get3A_291, %get3A_295 : vector<16xf32>
          %mul3A_297 = vector.broadcast %mul3A_287 : f32 to vector<16xf32>
          %mul3A_298 = arith.mulf %mul3A_297, %add3A_296 : vector<16xf32>
          %add3A_299 = arith.addf %mul3A_285, %mul3A_298 : vector<16xf32>
          %max3A_300 = arith.constant 0.000000e+00 : f32
          %max3A_301 = vector.broadcast %max3A_300 : f32 to vector<16xf32>
          %max3A_302 = arith.maximumf %add3A_299, %max3A_301 : vector<16xf32>
          %swap3A_303 = arith.index_cast %add3A_188 : i32 to index
          %swap3A_304 = arith.constant 48 : index
          %swap3A_305 = tpu.vector_load %arg18[%swap3A_303, %swap3A_304] {strides = array<i32>} : memref<640x64xf32, #tpu.memory_space<vmem>>, vector<1x16xf32>,
          %swap3A_306 = vector.shape_cast %swap3A_305 : vector<1x16xf32> to vector<16xf32>
          %swap3A_307 = vector.shape_cast %max3A_302 : vector<16xf32> to vector<1x16xf32>
          tpu.vector_store %arg18[%swap3A_303, %swap3A_304], %swap3A_307 {strides = array<i32>} : memref<640x64xf32, #tpu.memory_space<vmem>>, vector<1x16xf32>,
        }
        %scan3A_184 = arith.constant 128 : i32
      }
      %scan3A_173 = arith.constant 5 : i32
      "tpu.region"() ({
        %run_scoped3A = tpu.sem_alloc : memref<!tpu.dma_semaphore, #tpu.memory_space<semaphore_mem>>
        %dma_start3A = arith.constant 0 : i32
        %dma_start3A_175 = tpu.memref_slice %arg10[%mul3A_2, %dma_start3A] : memref<10240x64xf32, #tpu.memory_space<hbm>> -> memref<640x64xf32, #tpu.memory_space<hbm>>
        %dma_start3A_176 = arith.constant 0 : i32
        %dma_start3A_177 = tpu.memref_slice %arg10[%mul3A_2, %dma_start3A_176] : memref<10240x64xf32, #tpu.memory_space<hbm>> -> memref<640x64xf32, #tpu.memory_space<hbm>>
        tpu.enqueue_dma source(%arg18 : memref<640x64xf32, #tpu.memory_space<vmem>>) target(%dma_start3A_177 : memref<640x64xf32, #tpu.memory_space<hbm>>) target_semaphore(%run_scoped3A : memref<!tpu.dma_semaphore, #tpu.memory_space<semaphore_mem>>)
        %dma_wait3A = arith.constant 0 : i32
        %dma_wait3A_178 = tpu.memref_slice %arg10[%mul3A_2, %dma_wait3A] : memref<10240x64xf32, #tpu.memory_space<hbm>> -> memref<640x64xf32, #tpu.memory_space<hbm>>
        %dma_wait3A_179 = arith.constant 0 : i32
        %dma_wait3A_180 = tpu.memref_slice %arg10[%mul3A_2, %dma_wait3A_179] : memref<10240x64xf32, #tpu.memory_space<hbm>> -> memref<640x64xf32, #tpu.memory_space<hbm>>
        tpu.wait_dma2 semaphore(%run_scoped3A : memref<!tpu.dma_semaphore, #tpu.memory_space<semaphore_mem>>) src(%arg18 : memref<640x64xf32, #tpu.memory_space<vmem>>) dst(%dma_wait3A_180 : memref<640x64xf32, #tpu.memory_space<hbm>>)
        tpu.yield
      }) : () -> ()
      %barrier3A_174 = arith.constant 0 : index
      tpu.barrier barrier_id(%barrier3A_174)
    }
    %scan3A_8 = arith.constant 10 : i32
    return
  }
}

</mosaic_0001>

<sc_bundles>
// kernel: _sc_layer.3.cloned.1.call-start
scs
__scs_entry_jumppad:
0x0: {  	(pc) =	sbr.rel $0x88, $3  }
0x1: {  	(tag) =	ssettag $0x0;
	lr =	simm.s32 $0x1  }
0x2: {  	[smem:$0x3F99] =	sst lr;
	_ =	strace $0xD0000000  }
0x3: {  	_ = 	snop  }
0x4: {  	_ = 	snop  }
0x5: {  	_ = 	snop  }
0x6: {  	_ = 	snop  }
0x7: {  	_ = 	snop  }
__scs_overlays_trampoline_lowered:
0x8: {  	[smem:$0x3FA8] =	sst s0  }
0x9: {  	[smem:$0x3FA9] =	sst s1  }
0xa: {  	[smem:$0x3FAA] =	sst s2  }
0xb: {  	[smem:$0x3FAB] =	sst s3  }
0xc: {  	[smem:$0x3FAC] =	sst s4  }
0xd: {  	[smem:$0x3FAD] =	sst s5  }
0xe: {  	[smem:$0x3FAE] =	sst s6  }
0xf: {  	[smem:$0x3FAF] =	sst s7  }
0x10: {  	[smem:$0x3FB0] =	sst s8  }
0x11: {  	[smem:$0x3FB1] =	sst s9;
	s0 =	simm.s32 @!p0 $0x0  }
0x12: {  	s1 =	sld [smem:$0x3F97];
	s0 =	simm.s32 @p0 $0x1  }
0x13: {  	[smem:$0x3FB2] =	sst s0;
	s0 =	simm.s32 @!p1 $0x0  }
0x14: {  	s2 =	sld [smem:$0x3F96];
	s0 =	simm.s32 @p1 $0x1  }
0x15: {  	[smem:$0x3FB3] =	sst s0;
	s0 =	simm.s32 @!p2 $0x0  }
0x16: {  	s3 =	sld [smem:$0x3FDB];
	s0 =	simm.s32 @p2 $0x1  }
0x17: {  	s4 =	simm.s32 $0x1BF5;
	[smem:$0x3FB5] =	sst s0  }
0x18: {  	s0 =	sld [smem:$0x3F98];
	_ =	swait.ge [sflag:s4], $0x0  }
0x19: {  	s7 =	sld [smem:$0x3F99]  }
0x1a: {  	s8 =	sadd.s32 $0xFFFFE003, lr  }
0x1b: {  	s9 =	sadd.s32 $0xFFFFFEF7, lr;
	s5 =	simm.s32 $0xFFFFFFFF;
	p2 =	slt.u32 s8, $0xFFFFF086  }
0x1c: {  	p1 =	slt.u32 s9, $0xF7A;
	s5 =	simm.s32 @!p2 $0x0  }
0x1d: {  	s5 =	simm.s32 @p1 $0x1;
	p0 =	seq.s32 s7, s2  }
0x1e: {  	s7 =	smul.u32 @!p0 $0xF7A, s2;
	p2 =	seq.s32 @!p0 s5, $0x0  }
0x1f: {  	s9 =	smul.u32 $0xF7A, s1;
	s8 =	simm.s32 @!p0 $0x1BF5;
	p2 =	por !p2, p0  }
0x20: {  	[sflag:s8] =	ssyncset.s32 @!p0 $0xFFFFF086;
	s6 =	sadd.s32 @!p0 s3, s7;
	s7 =	simm.s32 @!p0 $0x108  }
0x21: {  	s3 =	sadd.s32 s3, s9;
	s6 =	sadd.s32 @!p0 $0x88, s6;
	s7 =	simm.s32 @p2 $0x1082  }
0x22: {  	[simem:s7], [sflag:s8] =	dma.local @!p0 [hbm:s6], $0xF7A  }
0x23: {  	s9 =	sor.u32 $0xD0000000, s2;
	s6 =	simm.s32 $0x108;
	_ =	swait.ge @!p0 [sflag:s8], $0x0  }
0x24: {  	s3 =	sadd.s32 $0x88, s3;
	s6 =	simm.s32 @!p1 $0x1082;
	[sflag:s4] =	ssyncset.s32 $0xFFFFF086  }
0x25: {  	[simem:s6], [sflag:s4] =	dma.local [hbm:s3], $0xF7A  }
0x26: {  	[smem:$0x3F99] =	sst s1;
	(tag) =	ssettag s2;
	_ =	strace s9  }
0x27: {  	s1 =	sld [smem:$0x3FA9]  }
0x28: {  	s2 =	sld [smem:$0x3FAA]  }
0x29: {  	s4 =	sld [smem:$0x3FAC]  }
0x2a: {  	p0 =	seq.s32 s5, $0x0;
	s5 =	sld [smem:$0x3FAD]  }
0x2b: {  	s6 =	sld [smem:$0x3FAE]  }
0x2c: {  	s7 =	sld [smem:$0x3FAF]  }
0x2d: {  	s3 =	simm.s32 $0x108;
	s8 =	sld [smem:$0x3FB0]  }
0x2e: {  	s3 =	simm.s32 @!p0 $0x1082;
	s9 =	sld [smem:$0x3FB1]  }
0x2f: {  	lr =	sadd.s32 s0, s3;
	s0 =	sld [smem:$0x3FA8]  }
0x30: {  	s3 =	sld [smem:$0x3FAB]  }
0x31: {  	[smem:$0x3FB4] =	sst s10  }
0x32: {  	s10 =	sld [smem:$0x3FB2];
	_ =	sdelay $0x3  }
0x33: {  	p0 =	seq.s32 s10, $0x1;
	s10 =	sld [smem:$0x3FB4];
	_ =	sdelay $0x3  }
0x34: {  	[smem:$0x3FB4] =	sst s10  }
0x35: {  	s10 =	sld [smem:$0x3FB3];
	_ =	sdelay $0x3  }
0x36: {  	p1 =	seq.s32 s10, $0x1;
	s10 =	sld [smem:$0x3FB4];
	_ =	sdelay $0x3  }
0x37: {  	[smem:$0x3FB4] =	sst s10  }
0x38: {  	s10 =	sld [smem:$0x3FB5]  }
0x39: {  	_ = 	snop;
	(pc) =	sbr.ind lr, $3  }
0x3a: {  	_ = 	snop  }
0x3b: {  	_ = 	snop  }
0x3c: {  	p2 =	seq.s32 s10, $0x1;
	s10 =	sld [smem:$0x3FB4]  }
0x3d: {  	_ =	shalt  }
0x3e: {  	_ =	shalt  }
0x3f: {  	_ =	shalt  }
0x40: {  	_ =	shalt  }
0x41: {  	_ =	shalt  }
0x42: {  	_ =	shalt  }
0x43: {  	_ =	shalt  }
0x44: {  	_ =	shalt  }
0x45: {  	_ =	shalt  }
0x46: {  	_ =	shalt  }
0x47: {  	_ =	shalt  }
0x48: {  	_ =	shalt  }
0x49: {  	_ =	shalt  }
0x4a: {  	_ =	shalt  }
0x4b: {  	_ =	shalt  }
0x4c: {  	_ =	shalt  }
0x4d: {  	_ =	shalt  }
0x4e: {  	_ =	shalt  }
0x4f: {  	_ =	shalt  }
0x50: {  	_ =	shalt  }
0x51: {  	_ =	shalt  }
0x52: {  	_ =	shalt  }
0x53: {  	_ =	shalt  }
0x54: {  	_ =	shalt  }
0x55: {  	_ =	shalt  }
0x56: {  	_ =	shalt  }
0x57: {  	_ =	shalt  }
0x58: {  	_ =	shalt  }
0x59: {  	_ =	shalt  }
0x5a: {  	_ =	shalt  }
0x5b: {  	_ =	shalt  }
0x5c: {  	_ =	shalt  }
0x5d: {  	_ =	shalt  }
0x5e: {  	_ =	shalt  }
0x5f: {  	_ =	shalt  }
0x60: {  	_ =	shalt  }
0x61: {  	_ =	shalt  }
0x62: {  	_ =	shalt  }
0x63: {  	_ =	shalt  }
0x64: {  	_ =	shalt  }
0x65: {  	_ =	shalt  }
0x66: {  	_ =	shalt  }
0x67: {  	_ =	shalt  }
0x68: {  	_ =	shalt  }
0x69: {  	_ =	shalt  }
0x6a: {  	_ =	shalt  }
0x6b: {  	_ =	shalt  }
0x6c: {  	_ =	shalt  }
0x6d: {  	_ =	shalt  }
0x6e: {  	_ =	shalt  }
0x6f: {  	_ =	shalt  }
0x70: {  	_ =	shalt  }
0x71: {  	_ =	shalt  }
0x72: {  	_ =	shalt  }
0x73: {  	_ =	shalt  }
0x74: {  	_ =	shalt  }
0x75: {  	_ =	shalt  }
0x76: {  	_ =	shalt  }
0x77: {  	_ =	shalt  }
0x78: {  	_ =	shalt  }
0x79: {  	_ =	shalt  }
0x7a: {  	_ =	shalt  }
0x7b: {  	_ =	shalt  }
0x7c: {  	_ =	shalt  }
0x7d: {  	_ =	shalt  }
0x7e: {  	_ =	shalt  }
0x7f: {  	_ =	shalt  }
0x80: {  	_ =	shalt  }
0x81: {  	_ =	shalt  }
0x82: {  	_ =	shalt  }
0x83: {  	_ =	shalt  }
0x84: {  	_ =	shalt  }
0x85: {  	_ =	shalt  }
0x86: {  	_ =	shalt  }
0x87: {  	_ =	shalt  }
.Lfunc_end0:
.L_simem_size_0:
called_computation_lowered:
.L_overlay_start_0:
0x88: {  	s0 =	sld [smem:$0x3FD9]  }
0x89: {  	s1 =	sld [smem:$0x3FFE];
	_ =	sdelay $0x3  }
0x8a: {  	s0 =	sadd.s32 s1, s0  }
0x8b: {  	[smem:$0x3FC0] =	sst s0  }
0x8c: {  	_ = 	snop  }
0x8d: {  	s0 =	sld [smem:$0x3FC8]  }
0x8e: {  	s16 =	sld [smem:$0x3FC7]  }
0x8f: {  	s2 =	sld [smem:$0x3FC6]  }
0x90: {  	s3 =	sld [smem:$0x3FC5]  }
0x91: {  	s4 =	sld [smem:$0x3FD0];
	(tm) =	ssettm $0x1  }
0x92: {  	s5 =	sld [smem:$0x3FFB];
	_ =	sdelay $0x3  }
0x93: {  	_ =	strace s5  }
0x94: {  	s5 =	sld [smem:$0x3FFC];
	_ =	sdelay $0x3  }
0x95: {  	_ =	strace s5  }
0x96: {  	s5 =	sld [smem:$0x3FFD];
	_ =	sdelay $0x3  }
0x97: {  	_ =	strace s5  }
0x98: {  	_ =	strace $0x8FFFFFFF  }
0x99: {  	s17 =	sld [smem:$0x3FDB];
	_ =	sdelay $0x1  }
0x9a: {  	s6 =	simm.s32 $_scs_section_size  }
0x9b: {  	s7 =	simm.s32 $_size__tile_overlayer_lowered;
	s8 =	simm.s32 $_tile_overlayer_lowered  }
0x9c: {  	s20 =	simm.s32 $0x1BFF;
	s19 =	sshll.u32 s8, $0x1;
	s5 =	sadd.s32 s6, s17  }
0x9d: {  	s9 =	simm.s32 $0x0;
	s18 =	sshll.u32 s7, $0x1;
	s7 =	sadd.s32 s19, s5  }
0x9e: {  	[timem:s9], [sflag:s20] =	dma.local [hbm:s7], s18  }
0x9f: {  	_ =	swait.ge [sflag:s20], s18  }
0xa0: {  	s6 =	ssub.s32 $0x0, s18;
	[sflag:s20] =	ssyncset.done $0x0  }
0xa1: {  	[sflag:s20] =	ssyncadd.s32 s6;
	_ =	sdelay $0x1  }
0xa2: {  	s21 =	simm.s32 $0x1B8B  }
0xa3: {  	_ =	swait.ge [sflag:s21], $0x1  }
0xa4: {  	[sflag:s21] =	ssyncset.done $0x0  }
0xa5: {  	s23 =	simm.s32 $0x1B8E;
	s22 =	sld [smem:$0x3FFE];
	[sflag:s21] =	ssyncadd.s32 $0xFFFFFFFF  }
0xa6: {  	s24 =	simm.s32 $execute0_lowered;
	[smem:$0x3FD2] =	sst s23  }
0xa7: {  	s7 =	sshll.u32 s24, $0x1;
	_ =	strace $0x80000046;
	[dreg:$0x1] =	wrdreg $0xFFFFFFFF  }
0xa8: {  	s25 =	simm.s32 $_size_execute0_lowered;
	s5 =	sadd.s32 s5, s7;
	[dreg:$0x0] =	wrdreg $0x0  }
0xa9: {  	s7 =	sshll.u32 s25, $0x1;
	[dreg:$0x2] =	wrdreg s5  }
0xaa: {  	[dreg:$0x3] =	wrdreg s7  }
0xab: {  	[dreg:$0x4] =	wrdreg $0xC0  }
0xac: {  	_ =	task [dreg:s9], $0x5FFFF  }
0xad: {  	[dreg:$0x1] =	wrdreg $0xFFFFFFFF  }
0xae: {  	[dreg:$0x0] =	wrdreg $0x60  }
0xaf: {  	[dreg:$0x2] =	wrdreg s4  }
0xb0: {  	[dreg:$0x3] =	wrdreg s0  }
0xb1: {  	[dreg:$0x4] =	wrdreg s16  }
0xb2: {  	[dreg:$0x5] =	wrdreg s2  }
0xb3: {  	[dreg:$0x6] =	wrdreg s3  }
0xb4: {  	[dreg:$0x7] =	wrdreg s22  }
0xb5: {  	[dreg:$0x8] =	wrdreg $0x9  }
0xb6: {  	_ =	task.clear_ibuf [dreg:s9], $0x9FFFF;
	_ =	strace $0x90000046  }
0xb7: {  	s26 =	simm.s32 $0x9;
	_ =	strace $0x80000048  }
0xb8: {  	_ =	swait.ge [sflag:s26], $0x1  }
0xb9: {  	[sflag:s26] =	ssyncadd.s32 $0xFFFFFFFF  }
0xba: {  	_ =	strace $0x90000048  }
0xbb: {  	_ =	sfence  }
0xbc: {  	s28 =	sld [smem:$0x0];
	_ =	sdelay $0x1  }
0xbd: {  	s29 =	srdreg.scid  }
0xbe: {  	s30 =	sshll.u32 s29, $0xD;
	s31 =	sshrl.u32 s29, $0x2  }
0xbf: {  	s1 =	sand.u32 $0x1, s29;
	s2 =	sand.u32 $0x4000, s30;
	s0 =	sadd.s32 s31, s28  }
0xc0: {  	s1 =	sor.u32 s2, s1;
	s0 =	sshll.u32 s0, $0x11  }
0xc1: {  	s0 =	sor.u32 s0, s1  }
0xc2: {  	s0 =	sadd.s32 $0x8F2B, s0  }
0xc3: {  	[sflag:s0] =	ssyncadd.remote.s32 $0x1  }
0xc4: {  	_ =	sfence.sel $0xFFFF  }
0xc5: {  	[dreg:$0x0] =	wrdreg $0xFFFFFFFF;
	(pc) =	sbr.abs _section_cstart, $3  }
0xc6: {  	[dreg:$0x1] =	wrdreg $0xFFFFFFFF  }
0xc7: {  	_ =	task.clear_ibuf [dreg:s9], $0x2FFFF;
	_ =	strace $0x9FFFFFFF  }
0xc8: {  	(tm) =	ssettm $0x7FFFFFFF  }
0xc9: {  	_ =	shalt  }
tec
execute0_lowered:
.L_overlay_start_1:
0x0: {  	(tag) =	ssettag $0x1  }
0x1: {  	s1 =	rddreg [dreg:$0x0]  }
0x2: {  	s2 =	rddreg [dreg:$0x1]  }
0x3: {  	s3 =	rddreg [dreg:$0x2]  }
0x4: {  	s4 =	rddreg [dreg:$0x3]  }
0x5: {  	s5 =	rddreg [dreg:$0x4]  }
0x6: {  	s0 =	rddreg [dreg:$0x5];
	s7 =	simm.s32 $0x0  }
0x7: {  	s6 =	stileid.u32;
	[smem:$0x7FF] =	sst s7  }
0x8: {  	s9 =	simm.s32 $0x1A5F0;
	s8 =	sadd.s32 $0x1800, s0;
	_ =	strace $0x80000047  }
0x9: {  	[tilespmem:s9], [sflag:$0x2] =	stream.linear.gather [hbm4b:s8+s7], $0x40, $0x38;
	[tilespmem:$0x1A630] =	vst v63  }
0xa: {  	s25 =	smul.u32 $0x2A, s6;
	s8 =	simm.s32 $0x2  }
0xb: {  	_ =	swait.ge [sflag:s8], $0x40  }
0xc: {  	s11 =	simm.s32 $0xE210;
	s9 =	sadd.s32 s25, s0;
	[sflag:s8] =	ssyncset.done $0x0  }
0xd: {  	s10 =	smul.u32 $0x52, s6;
	s9 =	sadd.s32 $0x1400, s9;
	[sflag:s8] =	ssyncadd.s32 $0xFFFFFFC0  }
0xe: {  	[tilespmem:s11], [sflag:$0x2] =	stream.linear.gather [hbm4b:s9+s7], $0x150, $0x38;
	[tilespmem:$0x1A630] =	vst v63  }
0xf: {  	_ =	swait.ge [sflag:s8], $0x150  }
0x10: {  	s26 =	sadd.s32 s10, s0;
	[sflag:s8] =	ssyncset.done $0x0  }
0x11: {  	s28 =	simm.s32 $0xE360;
	s9 =	sadd.s32 $0xE00, s26;
	[sflag:s8] =	ssyncadd.s32 $0xFFFFFEB0  }
0x12: {  	[tilespmem:s28], [sflag:$0x2] =	stream.linear.gather [hbm4b:s9+s7], $0x290, $0x38;
	[tilespmem:$0x1A630] =	vst v63  }
0x13: {  	s29 =	smul.u32 $0x1400, s6;
	_ =	swait.ge [sflag:s8], $0x290  }
0x14: {  	[sflag:s8] =	ssyncset.done $0x0  }
0x15: {  	s31 =	simm.s32 $0xE5F0;
	s30 =	sadd.s32 s1, s29;
	[sflag:s8] =	ssyncadd.s32 $0xFFFFFD70  }
0x16: {  	[tilespmem:s31], [sflag:$0x2] =	stream.linear.gather [hbm4b:s30+s7], $0xA000, $0x38;
	[tilespmem:$0x1A630] =	vst v63  }
0x17: {  	s17 =	simm.s32 $0x1;
	_ =	swait.ge [sflag:s8], $0xA000  }
0x18: {  	s18 =	simm.s32 $0x100;
	s10 =	sadd.s32 $0xBA00, s0;
	[sflag:s8] =	ssyncset.done $0x0  }
0x19: {  	s19 =	simm.s32 $0x210;
	s11 =	sadd.s32 s10, s29;
	[sflag:s8] =	ssyncadd.s32 $0xFFFF6000  }
0x1a: {  	[hbm4b:s11+s7] =	stream.linear.scatter [tilespmem:s31], [sflag:$0x2], $0xA000, $0x38;
	[tilespmem:$0x1A630] =	vst v63  }
0x1b: {  	s21 =	simm.s32 $0x185F0;
	s12 =	smul.u32 $0xFFFEC0, s6;
	_ =	swait.ge [sflag:s8], $0xA000  }
0x1c: {  	s22 =	simm.s32 $0x0;
	s15 =	smul.u32 $0xA00, s6;
	[sflag:s8] =	ssyncset.done $0x0  }
0x1d: {  	s13 =	sadd.s32 $0x1A00, s0;
	s14 =	smul.u32 $0x280, s6;
	[sflag:s8] =	ssyncadd.s32 $0xFFFF6000  }
0x1e: {  	v0 =	vimm.f32 $0.0e+00;
	s16 =	sor.u32 $0x1A610, s6;
	s15 =	sadd.s32 s13, s15;
	[bflag:$0x0] =	sbarrier.arrive $0xFFFF  }
.LBB2_1:
0x1f: {  	s20 =	simm.s32 $0x100;
	s0 =	simm.s32 $0x0  }
.LBB2_2:
0x20: {  	p0 =	sne.s32 s20, $0x13F00;
	[tilespmem:s0+$0x4240] =	vst v0;
	s23 =	smov.u32 s20;
	s20 =	sadd.s32 $0x100, s20  }
.Ltmp0:
0x21: {  	[tilespmem:s0+$0x4230] =	vst v0;
	(pc) =	sbr.rel @p0 .LBB2_2-.Ltmp0, $3  }
0x22: {  	[tilespmem:s0+$0x4210] =	vst v0  }
0x23: {  	[tilespmem:s0+$0x4220] =	vst v0;
	_ =	sdelay $0x1  }
0x24: {  	s0 =	sshra.s32 s23, $0x2  }
0x25: {  	[tilespmem:s0+$0x4240] =	vst v0  }
0x26: {  	[tilespmem:s0+$0x4230] =	vst v0  }
0x27: {  	[tilespmem:s0+$0x4210] =	vst v0  }
0x28: {  	[tilespmem:s0+$0x4220] =	vst v0  }
0x29: {  	v1 =	vld [tilespmem:s6+$0x1A5F0];
	_ =	sdelay $0x4  }
0x2a: {  	(v2sf) =	vpush v1, $0x0;
	_ =	sdelay $0x6  }
0x2b: {  	(v2sf) =	vpush v1, $0x1;
	_ =	sdelay $0x7  }
0x2c: {  	s23 =	spop (v2sf)  }
0x2d: {  	s28 =	sand.u32 $0x7, s23  }
0x2e: {  	s20 =	sshra.s32 s23, $0x1F;
	p0 =	slt.s32 s23, $0x1;
	p1 =	sne.s32 s28, $0x0  }
0x2f: {  	s29 =	sshrl.u32 s20, $0x1D;
	p0 =	por !p0, !p1  }
0x30: {  	s20 =	simm.s32 $0x1;
	s0 =	sadd.s32 s29, s23;
	p0 =	por !p0, !p0  }
0x31: {  	s0 =	sshrl.u32 s0, $0x3;
	s20 =	simm.s32 @!p0 $0x0  }
0x32: {  	s0 =	ssub.s32 s0, s20  }
0x33: {  	s24 =	spop (v2sf);
	s25 =	sshll.u32 s0, $0x3  }
0x34: {  	s0 =	ssub.s32 s24, s25  }
0x35: {  	s0 =	sadd.s32 $0xFF, s0  }
0x36: {  	s30 =	sand.u32 $0xFF, s0  }
0x37: {  	s31 =	sshra.s32 s0, $0x1F;
	p6 =	slt.s32 s0, $0x1;
	p5 =	sne.s32 s30, $0x0  }
0x38: {  	s20 =	sshrl.u32 s31, $0x18;
	p0 =	por !p6, !p5  }
0x39: {  	s0 =	sadd.s32 s20, s0;
	s20 =	simm.s32 $0x1;
	p0 =	por !p0, !p0  }
0x3a: {  	s0 =	sshra.s32 s0, $0x8;
	s20 =	simm.s32 @!p0 $0x0  }
0x3b: {  	s26 =	ssub.s32 s0, s20  }
0x3c: {  	p0 =	slt.s32 s26, $0x1  }
.Ltmp1:
0x3d: {  	_ = 	snop;
	(pc) =	sbr.rel @p0 .LBB2_9-.Ltmp1, $1  }
0x3e: {  	_ =	sdelay $0x3  }
.Ltmp2:
0x3f: {  	(pc) =	sbr.rel .LBB2_5-.Ltmp2, $2  }
0x40: {  	_ =	sdelay $0x2  }
0x41: {  	s28 =	ssub.s32 s23, s25;
	s29 =	simm.s32 $0x0  }
.LBB2_8:
0x42: {  	s29 =	sadd.s32 $0x1, s29  }
0x43: {  	p0 =	sne.s32 s29, s26  }
.Ltmp3:
0x44: {  	_ = 	snop;
	(pc) =	sbr.rel @!p0 .LBB2_9-.Ltmp3, $2  }
0x45: {  	_ =	sdelay $0x2  }
0x46: {  	s28 =	sadd.s32 $0xFFFFFF00, s28  }
.LBB2_5:
0x47: {  	s0 =	sshll.u32 s29, $0x8  }
0x48: {  	s20 =	sadd.s32 s25, s0  }
0x49: {  	s0 =	sshrl.u32 s20, $0x3  }
0x4a: {  	s30 =	sadd.s32 s2, s0  }
0x4b: {  	[tilespmem:s7], [sflag:$0x2] =	stream.linear.gather [hbm4b:s30+s7], $0x100, $0x38;
	[tilespmem:$0x1A630] =	vst v63  }
0x4c: {  	_ =	swait.ge [sflag:s8], $0x100  }
0x4d: {  	[sflag:s8] =	ssyncset.done $0x0  }
0x4e: {  	s0 =	sadd.s32 s3, s0;
	[sflag:s8] =	ssyncadd.s32 $0xFFFFFF00  }
0x4f: {  	[tilespmem:s18], [sflag:$0x2] =	stream.linear.gather [hbm4b:s0+s7], $0x100, $0x38;
	[tilespmem:$0x1A630] =	vst v63  }
0x50: {  	s30 =	ssub.s32 s24, s20;
	s0 =	ssub.s32 s23, s20  }
0x51: {  	p1 =	slt.s32 s30, $0x100;
	p0 =	sgt.s32 s0, $0x0  }
0x52: {  	s30 =	simm.s32 @!p1 $0x100;
	_ =	swait.ge [sflag:s8], $0x100;
	s0 =	simm.s32 @!p0 $0x0  }
0x53: {  	[sflag:s8] =	ssyncset.done $0x0;
	p0 =	sge.s32 s0, s30  }
.Ltmp4:
0x54: {  	[sflag:s8] =	ssyncadd.s32 $0xFFFFFF00;
	(pc) =	sbr.rel @p0 .LBB2_8-.Ltmp4, $4  }
0x55: {  	[tilespmem:s19], [sflag:$0x1] =	stream.indirect.gather [hbm4b:s10+s18], $0x40, s7, s18, $0xb8;
	[tilespmem:$0x1A630] =	vst v63  }
0x56: {  	_ =	swait.ge [sflag:s17], $0x4000  }
0x57: {  	[sflag:s17] =	ssyncset.done $0x0  }
0x58: {  	[sflag:s17] =	ssyncadd.s32 $0xFFFFC000  }
0x59: {  	p0 =	sgt.s32 s28, $0x0;
	s20 =	smov.u32 s28  }
0x5a: {  	s20 =	simm.s32 @!p0 $0x0  }
0x5b: {  	s31 =	sshll.u32 s20, $0x2  }
0x5c: {  	s31 =	sshra.s32 s31, $0x2  }
0x5d: {  	s9 =	sadd.s32 $0x100, s31  }
0x5e: {  	v1 =	vld [tilespmem:s9+$0x0];
	_ =	sdelay $0x4  }
0x5f: {  	(v2sf) =	vpush v1, $0x0;
	_ =	sdelay $0xa  }
0x60: {  	s20 =	sshll.u32 s20, $0x8  }
0x61: {  	s20 =	sshra.s32 s20, $0x2  }
0x62: {  	s31 =	sadd.s32 $0x230, s20  }
0x63: {  	v1 =	vld [tilespmem:s31+$0xFFFFFFE0]  }
0x64: {  	s20 =	spop (v2sf)  }
0x65: {  	s20 =	sadd.s32 s12, s20  }
0x66: {  	s20 =	sshll.u32 s20, $0x8  }
0x67: {  	s20 =	sshra.s32 s20, $0x2  }
0x68: {  	[tilespmem:s20+$0x4210] =	vst.add.f32.msk $0xffff, v1  }
0x69: {  	v1 =	vld [tilespmem:s31+$0xFFFFFFF0];
	_ =	sdelay $0x4  }
0x6a: {  	[tilespmem:s20+$0x4220] =	vst.add.f32.msk $0xffff, v1  }
0x6b: {  	v1 =	vld [tilespmem:s31+$0x0];
	_ =	sdelay $0x4  }
0x6c: {  	s0 =	sadd.s32 $0x1, s0;
	[tilespmem:s20+$0x4230] =	vst.add.f32.msk $0xffff, v1  }
0x6d: {  	p0 =	slt.s32 s0, s30;
	v1 =	vld [tilespmem:s31+$0x10]  }
.Ltmp5:
0x6e: {  	_ = 	snop;
	(pc) =	sbr.rel @!p0 .LBB2_8-.Ltmp5, $2  }
0x6f: {  	_ =	sdelay $0x2  }
0x70: {  	[tilespmem:s20+$0x4240] =	vst.add.f32.msk $0xffff, v1;
	s20 =	sadd.s32 $0x1, s9  }
.LBB2_7:
0x71: {  	v1 =	vld [tilespmem:s20+$0x0];
	s0 =	sadd.s32 $0x1, s0  }
0x72: {  	p0 =	slt.s32 s0, s30;
	_ =	sdelay $0x3  }
0x73: {  	(v2sf) =	vpush v1, $0x0;
	_ =	sdelay $0xc  }
0x74: {  	s31 =	sadd.s32 $0x40, s31  }
0x75: {  	v1 =	vld [tilespmem:s31+$0xFFFFFFE0]  }
0x76: {  	s9 =	spop (v2sf)  }
0x77: {  	s9 =	sadd.s32 s12, s9  }
0x78: {  	s9 =	sshll.u32 s9, $0x8  }
0x79: {  	s9 =	sshra.s32 s9, $0x2  }
0x7a: {  	[tilespmem:s9+$0x4210] =	vst.add.f32.msk $0xffff, v1  }
0x7b: {  	v1 =	vld [tilespmem:s31+$0xFFFFFFF0];
	_ =	sdelay $0x4  }
0x7c: {  	[tilespmem:s9+$0x4220] =	vst.add.f32.msk $0xffff, v1  }
0x7d: {  	v1 =	vld [tilespmem:s31+$0x0];
	_ =	sdelay $0x4  }
0x7e: {  	[tilespmem:s9+$0x4230] =	vst.add.f32.msk $0xffff, v1  }
0x7f: {  	v1 =	vld [tilespmem:s31+$0x10]  }
.Ltmp6:
0x80: {  	(pc) =	sbr.rel @p0 .LBB2_7-.Ltmp6, $2  }
0x81: {  	_ =	sdelay $0x2  }
0x82: {  	s20 =	sadd.s32 $0x1, s20;
	[tilespmem:s9+$0x4240] =	vst.add.f32.msk $0xffff, v1  }
.Ltmp7:
0x83: {  	_ = 	snop;
	(pc) =	sbr.rel .LBB2_8-.Ltmp7, $1  }
0x84: {  	_ =	sdelay $0x3  }
.LBB2_9:
0x85: {  	s0 =	simm.s32 $0x4230  }
0x86: {  	v1 =	vld [tilespmem:s0+$0xFFFFFFF0]  }
0x87: {  	s9 =	simm.s32 $0x0;
	v3 =	vld [tilespmem:s0+$0x10]  }
0x88: {  	v5 =	vld.msk [tilespmem:s9+$0xE210 ss:$0x0], $0xffff  }
0x89: {  	v2 =	vld [tilespmem:s0+$0xFFFFFFE0]  }
0x8a: {  	v6 =	vld [tilespmem:s0+$0x0];
	_ =	sdelay $0x3  }
0x8b: {  	v2 =	vmul.f32 v5, v2;
	v4 =	vmul.f32 v3, v5  }
0x8c: {  	s20 =	simm.s32 $0x4;
	s23 =	simm.s32 $0x4230;
	v3 =	vmul.f32 v1, v5;
	v1 =	vmul.f32 v6, v5  }
.LBB2_10:
0x8d: {  	p0 =	sne.s32 s20, $0x4FC  }
0x8e: {  	[tilespmem:s0+$0x10] =	vst v4;
	s23 =	sadd.s32 $0x40, s23;
	s9 =	smov.u32 s20;
	s20 =	sadd.s32 $0x4, s20  }
0x8f: {  	[tilespmem:s0+$0xFFFFFFE0] =	vst v2  }
0x90: {  	v5 =	vld [tilespmem:s23+$0xFFFFFFF0];
	[tilespmem:s0+$0xFFFFFFF0] =	vst v3  }
0x91: {  	s9 =	sshra.s32 s9, $0x2;
	v3 =	vld [tilespmem:s23+$0x10];
	[tilespmem:s0+$0x0] =	vst v1;
	s0 =	smov.u32 s23  }
0x92: {  	v1 =	vld.msk [tilespmem:s9+$0xE210 ss:$0x0], $0xffff  }
0x93: {  	v2 =	vld [tilespmem:s23+$0xFFFFFFE0]  }
0x94: {  	v6 =	vld [tilespmem:s23+$0x0]  }
.Ltmp8:
0x95: {  	(pc) =	sbr.rel @p0 .LBB2_10-.Ltmp8, $3  }
0x96: {  	_ =	sdelay $0x1  }
0x97: {  	v4 =	vmul.f32 v3, v1;
	v2 =	vmul.f32 v1, v2  }
0x98: {  	v3 =	vmul.f32 v5, v1;
	v1 =	vmul.f32 v6, v1  }
0x99: {  	[tilespmem:s0+$0x10] =	vst v4  }
0x9a: {  	[tilespmem:s0+$0xFFFFFFE0] =	vst v2  }
0x9b: {  	[tilespmem:s0+$0xFFFFFFF0] =	vst v3  }
0x9c: {  	s31 =	simm.s32 $0x0;
	s9 =	simm.s32 $0x4210;
	[tilespmem:s0+$0x0] =	vst v1  }
0x9d: {  	[hbm4b:s15+s31] =	stream.linear.scatter [tilespmem:s9], [sflag:$0x2], $0x5000, $0x38;
	[tilespmem:$0x1A630] =	vst v63  }
0x9e: {  	_ =	swait.ge [sflag:s8], $0x5000  }
0x9f: {  	[sflag:s8] =	ssyncset.done $0x0  }
0xa0: {  	[sflag:s8] =	ssyncadd.s32 $0xFFFFB000  }
0xa1: {  	s20 =	simm.s32 $0x100;
	s0 =	simm.s32 $0x0;
	[bflag:$0x0] =	sbarrier.arrive $0xFFFF  }
.LBB2_12:
0xa2: {  	p0 =	sne.s32 s20, $0x27F00;
	[tilespmem:s0+$0x4240] =	vst v0;
	s9 =	smov.u32 s20;
	s20 =	sadd.s32 $0x100, s20  }
.Ltmp9:
0xa3: {  	[tilespmem:s0+$0x4230] =	vst v0;
	(pc) =	sbr.rel @p0 .LBB2_12-.Ltmp9, $3  }
0xa4: {  	[tilespmem:s0+$0x4210] =	vst v0  }
0xa5: {  	[tilespmem:s0+$0x4220] =	vst v0;
	_ =	sdelay $0x1  }
0xa6: {  	s0 =	sshra.s32 s9, $0x2  }
0xa7: {  	[tilespmem:s0+$0x4240] =	vst v0  }
0xa8: {  	[tilespmem:s0+$0x4230] =	vst v0  }
0xa9: {  	[tilespmem:s0+$0x4210] =	vst v0  }
0xaa: {  	[tilespmem:s0+$0x4220] =	vst v0  }
0xab: {  	v1 =	vld [tilespmem:s16+$0x0];
	_ =	sdelay $0x4  }
0xac: {  	(v2sf) =	vpush v1, $0x0;
	_ =	sdelay $0x6  }
0xad: {  	(v2sf) =	vpush v1, $0x1;
	_ =	sdelay $0x7  }
0xae: {  	s23 =	spop (v2sf)  }
0xaf: {  	s28 =	sand.u32 $0x7, s23  }
0xb0: {  	s9 =	sshra.s32 s23, $0x1F;
	p0 =	slt.s32 s23, $0x1;
	p1 =	sne.s32 s28, $0x0  }
0xb1: {  	s29 =	sshrl.u32 s9, $0x1D;
	p0 =	por !p0, !p1  }
0xb2: {  	s9 =	simm.s32 $0x1;
	s0 =	sadd.s32 s29, s23;
	p0 =	por !p0, !p0  }
0xb3: {  	s0 =	sshrl.u32 s0, $0x3;
	s9 =	simm.s32 @!p0 $0x0  }
0xb4: {  	s0 =	ssub.s32 s0, s9  }
0xb5: {  	s24 =	spop (v2sf);
	s25 =	sshll.u32 s0, $0x3  }
0xb6: {  	s0 =	ssub.s32 s24, s25  }
0xb7: {  	s0 =	sadd.s32 $0xFF, s0  }
0xb8: {  	s30 =	sand.u32 $0xFF, s0  }
0xb9: {  	s31 =	sshra.s32 s0, $0x1F;
	p6 =	slt.s32 s0, $0x1;
	p5 =	sne.s32 s30, $0x0  }
0xba: {  	s9 =	sshrl.u32 s31, $0x18;
	p0 =	por !p6, !p5  }
0xbb: {  	s0 =	sadd.s32 s9, s0;
	s9 =	simm.s32 $0x1;
	p0 =	por !p0, !p0  }
0xbc: {  	s0 =	sshra.s32 s0, $0x8;
	s9 =	simm.s32 @!p0 $0x0  }
0xbd: {  	s26 =	ssub.s32 s0, s9  }
0xbe: {  	p0 =	slt.s32 s26, $0x1  }
.Ltmp10:
0xbf: {  	_ = 	snop;
	(pc) =	sbr.rel @p0 .LBB2_19-.Ltmp10, $1  }
0xc0: {  	_ =	sdelay $0x3  }
.Ltmp11:
0xc1: {  	(pc) =	sbr.rel .LBB2_15-.Ltmp11, $2  }
0xc2: {  	_ =	sdelay $0x2  }
0xc3: {  	s28 =	ssub.s32 s23, s25;
	s29 =	simm.s32 $0x0  }
.LBB2_18:
0xc4: {  	s29 =	sadd.s32 $0x1, s29  }
0xc5: {  	p0 =	sne.s32 s29, s26  }
.Ltmp12:
0xc6: {  	_ = 	snop;
	(pc) =	sbr.rel @!p0 .LBB2_19-.Ltmp12, $2  }
0xc7: {  	_ =	sdelay $0x2  }
0xc8: {  	s28 =	sadd.s32 $0xFFFFFF00, s28  }
.LBB2_15:
0xc9: {  	s0 =	sshll.u32 s29, $0x8  }
0xca: {  	s9 =	sadd.s32 s25, s0  }
0xcb: {  	s0 =	sshrl.u32 s9, $0x3  }
0xcc: {  	s20 =	sadd.s32 s4, s0  }
0xcd: {  	[tilespmem:s7], [sflag:$0x2] =	stream.linear.gather [hbm4b:s20+s7], $0x100, $0x38;
	[tilespmem:$0x1A630] =	vst v63  }
0xce: {  	_ =	swait.ge [sflag:s8], $0x100  }
0xcf: {  	[sflag:s8] =	ssyncset.done $0x0  }
0xd0: {  	s0 =	sadd.s32 s5, s0;
	[sflag:s8] =	ssyncadd.s32 $0xFFFFFF00  }
0xd1: {  	[tilespmem:s18], [sflag:$0x2] =	stream.linear.gather [hbm4b:s0+s7], $0x100, $0x38;
	[tilespmem:$0x1A630] =	vst v63  }
0xd2: {  	s30 =	ssub.s32 s24, s9;
	s0 =	ssub.s32 s23, s9  }
0xd3: {  	p1 =	slt.s32 s30, $0x100;
	p0 =	sgt.s32 s0, $0x0  }
0xd4: {  	s30 =	simm.s32 @!p1 $0x100;
	_ =	swait.ge [sflag:s8], $0x100;
	s0 =	simm.s32 @!p0 $0x0  }
0xd5: {  	[sflag:s8] =	ssyncset.done $0x0;
	p0 =	sge.s32 s0, s30  }
.Ltmp13:
0xd6: {  	[sflag:s8] =	ssyncadd.s32 $0xFFFFFF00;
	(pc) =	sbr.rel @p0 .LBB2_18-.Ltmp13, $4  }
0xd7: {  	[tilespmem:s19], [sflag:$0x1] =	stream.indirect.gather [hbm4b:s13+s18], $0x40, s7, s18, $0xb8;
	[tilespmem:$0x1A630] =	vst v63  }
0xd8: {  	_ =	swait.ge [sflag:s17], $0x4000  }
0xd9: {  	[sflag:s17] =	ssyncset.done $0x0  }
0xda: {  	[sflag:s17] =	ssyncadd.s32 $0xFFFFC000  }
0xdb: {  	p0 =	sgt.s32 s28, $0x0;
	s9 =	smov.u32 s28  }
0xdc: {  	s9 =	simm.s32 @!p0 $0x0  }
0xdd: {  	s20 =	sshll.u32 s9, $0x2  }
0xde: {  	s20 =	sshra.s32 s20, $0x2  }
0xdf: {  	s20 =	sadd.s32 $0x100, s20  }
0xe0: {  	v1 =	vld [tilespmem:s20+$0x0];
	_ =	sdelay $0x4  }
0xe1: {  	(v2sf) =	vpush v1, $0x0;
	_ =	sdelay $0xa  }
0xe2: {  	s9 =	sshll.u32 s9, $0x8  }
0xe3: {  	s9 =	sshra.s32 s9, $0x2  }
0xe4: {  	s31 =	sadd.s32 $0x230, s9  }
0xe5: {  	v1 =	vld [tilespmem:s31+$0xFFFFFFE0]  }
0xe6: {  	s9 =	spop (v2sf)  }
0xe7: {  	s9 =	ssub.s32 s9, s14  }
0xe8: {  	s9 =	sshll.u32 s9, $0x8  }
0xe9: {  	s9 =	sshra.s32 s9, $0x2  }
0xea: {  	[tilespmem:s9+$0x4210] =	vst.add.f32.msk $0xffff, v1  }
0xeb: {  	v1 =	vld [tilespmem:s31+$0xFFFFFFF0];
	_ =	sdelay $0x4  }
0xec: {  	[tilespmem:s9+$0x4220] =	vst.add.f32.msk $0xffff, v1  }
0xed: {  	v1 =	vld [tilespmem:s31+$0x0];
	_ =	sdelay $0x4  }
0xee: {  	s0 =	sadd.s32 $0x1, s0;
	[tilespmem:s9+$0x4230] =	vst.add.f32.msk $0xffff, v1  }
0xef: {  	p0 =	slt.s32 s0, s30;
	v1 =	vld [tilespmem:s31+$0x10]  }
.Ltmp14:
0xf0: {  	_ = 	snop;
	(pc) =	sbr.rel @!p0 .LBB2_18-.Ltmp14, $2  }
0xf1: {  	_ =	sdelay $0x2  }
0xf2: {  	s20 =	sadd.s32 $0x1, s20;
	[tilespmem:s9+$0x4240] =	vst.add.f32.msk $0xffff, v1  }
.LBB2_17:
0xf3: {  	v1 =	vld [tilespmem:s20+$0x0];
	s0 =	sadd.s32 $0x1, s0  }
0xf4: {  	p0 =	slt.s32 s0, s30;
	_ =	sdelay $0x3  }
0xf5: {  	(v2sf) =	vpush v1, $0x0;
	_ =	sdelay $0xc  }
0xf6: {  	s31 =	sadd.s32 $0x40, s31  }
0xf7: {  	v1 =	vld [tilespmem:s31+$0xFFFFFFE0]  }
0xf8: {  	s9 =	spop (v2sf)  }
0xf9: {  	s9 =	ssub.s32 s9, s14  }
0xfa: {  	s9 =	sshll.u32 s9, $0x8  }
0xfb: {  	s9 =	sshra.s32 s9, $0x2  }
0xfc: {  	[tilespmem:s9+$0x4210] =	vst.add.f32.msk $0xffff, v1  }
0xfd: {  	v1 =	vld [tilespmem:s31+$0xFFFFFFF0];
	_ =	sdelay $0x4  }
0xfe: {  	[tilespmem:s9+$0x4220] =	vst.add.f32.msk $0xffff, v1  }
0xff: {  	v1 =	vld [tilespmem:s31+$0x0];
	_ =	sdelay $0x4  }
0x100: {  	[tilespmem:s9+$0x4230] =	vst.add.f32.msk $0xffff, v1  }
0x101: {  	v1 =	vld [tilespmem:s31+$0x10]  }
.Ltmp15:
0x102: {  	(pc) =	sbr.rel @p0 .LBB2_17-.Ltmp15, $2  }
0x103: {  	_ =	sdelay $0x2  }
0x104: {  	s20 =	sadd.s32 $0x1, s20;
	[tilespmem:s9+$0x4240] =	vst.add.f32.msk $0xffff, v1  }
.Ltmp16:
0x105: {  	_ = 	snop;
	(pc) =	sbr.rel .LBB2_18-.Ltmp16, $1  }
0x106: {  	_ =	sdelay $0x3  }
.LBB2_19:
0x107: {  	s23 =	simm.s32 $0x0;
	s24 =	simm.s32 $0xE360  }
0x108: {  	s25 =	simm.s32 $0x4230;
	s26 =	simm.s32 $0xE610;
	s28 =	simm.s32 $0x0  }
.LBB2_20:
0x109: {  	s0 =	sshll.u32 s28, $0x7  }
0x10a: {  	s0 =	sadd.s32 s14, s0  }
0x10b: {  	s0 =	sshll.u32 s0, $0x3  }
0x10c: {  	s0 =	sadd.s32 s1, s0  }
0x10d: {  	[tilespmem:s21], [sflag:$0x2] =	stream.linear.gather [hbm4b:s0+s23], $0x2000, $0x38;
	[tilespmem:$0x1A630] =	vst v63  }
0x10e: {  	_ =	swait.ge [sflag:s8], $0x2000  }
0x10f: {  	[sflag:s8] =	ssyncset.done $0x0  }
0x110: {  	[sflag:s8] =	ssyncadd.s32 $0xFFFFE000  }
0x111: {  	v1 =	vld [tilespmem:s24+$0x0];
	_ =	sdelay $0x4  }
0x112: {  	(v2sf) =	vpush v1, $0x0;
	_ =	sdelay $0x4  }
0x113: {  	v2 =	vmov s25;
	_ =	sdelay $0x2  }
0x114: {  	v1 =	vmov s26  }
0x115: {  	s29 =	simm.s32 $0x0  }
0x116: {  	v3 =	vld.idx.msk [tilespmem:v2+s29+$0xFFFFFFE0 ss:$0x1], $0xffff  }
0x117: {  	v4 =	vld [tilespmem:s29+$0x185F0];
	_ =	sdelay $0x1  }
0x118: {  	v5 =	vld.idx.msk [tilespmem:v1+s29+$0xFFFFFFE0 ss:$0x1], $0xffff;
	_ =	sdelay $0x1  }
0x119: {  	s20 =	spop (v2sf)  }
0x11a: {  	v3 =	vadd.f32 v4, v3;
	s0 =	smul.f32 $1.000000010e-01, s20;
	_ =	sdelay $0x1  }
0x11b: {  	v4 =	vmul.f32 $8.999999760e-01, v5;
	v3 =	vmul.f32 s0, v3;
	_ =	sdelay $0x1  }
0x11c: {  	v3 =	vadd.f32 v3, v4;
	_ =	sdelay $0x1  }
0x11d: {  	v3 =	vmax.f32 v3, $0.0e+00  }
0x11e: {  	[tilespmem:v1+s29+$0xFFFFFFE0 ss:$0x1] =	vst.idx.msk $0xffff, v3  }
0x11f: {  	v3 =	vld.idx.msk [tilespmem:v2+s29+$0xFFFFFFF0 ss:$0x1], $0xffff  }
0x120: {  	v4 =	vld [tilespmem:s29+$0x18600];
	_ =	sdelay $0x1  }
0x121: {  	v5 =	vld.idx.msk [tilespmem:v1+s29+$0xFFFFFFF0 ss:$0x1], $0xffff;
	_ =	sdelay $0x2  }
0x122: {  	v3 =	vadd.f32 v4, v3;
	_ =	sdelay $0x1  }
0x123: {  	v4 =	vmul.f32 $8.999999760e-01, v5;
	v3 =	vmul.f32 s0, v3;
	_ =	sdelay $0x1  }
0x124: {  	v3 =	vadd.f32 v3, v4;
	_ =	sdelay $0x1  }
0x125: {  	v3 =	vmax.f32 v3, $0.0e+00  }
0x126: {  	[tilespmem:v1+s29+$0xFFFFFFF0 ss:$0x1] =	vst.idx.msk $0xffff, v3  }
0x127: {  	v3 =	vld.idx.msk [tilespmem:v2+s29+$0x0 ss:$0x1], $0xffff  }
0x128: {  	v4 =	vld [tilespmem:s29+$0x18610];
	_ =	sdelay $0x1  }
0x129: {  	v5 =	vld.idx.msk [tilespmem:v1+s29+$0x0 ss:$0x1], $0xffff;
	_ =	sdelay $0x2  }
0x12a: {  	v3 =	vadd.f32 v4, v3;
	_ =	sdelay $0x1  }
0x12b: {  	v4 =	vmul.f32 $8.999999760e-01, v5;
	v3 =	vmul.f32 s0, v3;
	_ =	sdelay $0x1  }
0x12c: {  	v3 =	vadd.f32 v3, v4;
	_ =	sdelay $0x1  }
0x12d: {  	v3 =	vmax.f32 v3, $0.0e+00  }
0x12e: {  	[tilespmem:v1+s29+$0x0 ss:$0x1] =	vst.idx.msk $0xffff, v3  }
0x12f: {  	v3 =	vld.idx.msk [tilespmem:v2+s29+$0x10 ss:$0x1], $0xffff  }
0x130: {  	v4 =	vld [tilespmem:s29+$0x18620];
	_ =	sdelay $0x1  }
0x131: {  	v5 =	vld.idx.msk [tilespmem:v1+s29+$0x10 ss:$0x1], $0xffff;
	_ =	sdelay $0x2  }
0x132: {  	v3 =	vadd.f32 v4, v3;
	_ =	sdelay $0x1  }
0x133: {  	v4 =	vmul.f32 $8.999999760e-01, v5;
	v3 =	vmul.f32 s0, v3;
	_ =	sdelay $0x1  }
0x134: {  	v3 =	vadd.f32 v3, v4;
	_ =	sdelay $0x1  }
0x135: {  	s30 =	simm.s32 $0x100;
	s31 =	smov.u32 s24;
	v3 =	vmax.f32 v3, $0.0e+00  }
.LBB2_21:
0x136: {  	p0 =	sne.s32 s30, $0x7F00  }
0x137: {  	[tilespmem:v1+s29+$0x10 ss:$0x1] =	vst.idx.msk $0xffff, v3;
	s31 =	sadd.s32 $0x1, s31;
	s0 =	smov.u32 s30;
	s30 =	sadd.s32 $0x100, s30  }
0x138: {  	v3 =	vld [tilespmem:s31+$0x0];
	_ =	sdelay $0x4  }
0x139: {  	(v2sf) =	vpush v3, $0x0;
	_ =	sdelay $0x8  }
0x13a: {  	s29 =	sshra.s32 s0, $0x2  }
0x13b: {  	v3 =	vld.idx.msk [tilespmem:v2+s29+$0xFFFFFFE0 ss:$0x1], $0xffff  }
0x13c: {  	v4 =	vld [tilespmem:s29+$0x185F0]  }
0x13d: {  	v5 =	vld.idx.msk [tilespmem:v1+s29+$0xFFFFFFE0 ss:$0x1], $0xffff;
	_ =	sdelay $0x2  }
0x13e: {  	s0 =	spop (v2sf)  }
0x13f: {  	s0 =	smul.f32 $1.000000010e-01, s0;
	v3 =	vadd.f32 v4, v3;
	_ =	sdelay $0x1  }
0x140: {  	v4 =	vmul.f32 $8.999999760e-01, v5;
	v3 =	vmul.f32 s0, v3;
	_ =	sdelay $0x1  }
0x141: {  	v3 =	vadd.f32 v3, v4;
	_ =	sdelay $0x1  }
0x142: {  	v3 =	vmax.f32 v3, $0.0e+00  }
0x143: {  	[tilespmem:v1+s29+$0xFFFFFFE0 ss:$0x1] =	vst.idx.msk $0xffff, v3  }
0x144: {  	v3 =	vld.idx.msk [tilespmem:v2+s29+$0xFFFFFFF0 ss:$0x1], $0xffff  }
0x145: {  	v4 =	vld [tilespmem:s29+$0x18600]  }
0x146: {  	v5 =	vld.idx.msk [tilespmem:v1+s29+$0xFFFFFFF0 ss:$0x1], $0xffff;
	_ =	sdelay $0x3  }
0x147: {  	v3 =	vadd.f32 v4, v3;
	_ =	sdelay $0x1  }
0x148: {  	v4 =	vmul.f32 $8.999999760e-01, v5;
	v3 =	vmul.f32 s0, v3;
	_ =	sdelay $0x1  }
0x149: {  	v3 =	vadd.f32 v3, v4;
	_ =	sdelay $0x1  }
0x14a: {  	v3 =	vmax.f32 v3, $0.0e+00  }
0x14b: {  	[tilespmem:v1+s29+$0xFFFFFFF0 ss:$0x1] =	vst.idx.msk $0xffff, v3  }
0x14c: {  	v3 =	vld.idx.msk [tilespmem:v2+s29+$0x0 ss:$0x1], $0xffff  }
0x14d: {  	v4 =	vld [tilespmem:s29+$0x18610]  }
0x14e: {  	v5 =	vld.idx.msk [tilespmem:v1+s29+$0x0 ss:$0x1], $0xffff;
	_ =	sdelay $0x3  }
0x14f: {  	v3 =	vadd.f32 v4, v3;
	_ =	sdelay $0x1  }
0x150: {  	v4 =	vmul.f32 $8.999999760e-01, v5;
	v3 =	vmul.f32 s0, v3;
	_ =	sdelay $0x1  }
0x151: {  	v3 =	vadd.f32 v3, v4;
	_ =	sdelay $0x1  }
0x152: {  	v3 =	vmax.f32 v3, $0.0e+00  }
0x153: {  	[tilespmem:v1+s29+$0x0 ss:$0x1] =	vst.idx.msk $0xffff, v3  }
0x154: {  	v3 =	vld.idx.msk [tilespmem:v2+s29+$0x10 ss:$0x1], $0xffff  }
0x155: {  	v4 =	vld [tilespmem:s29+$0x18620]  }
0x156: {  	v5 =	vld.idx.msk [tilespmem:v1+s29+$0x10 ss:$0x1], $0xffff;
	_ =	sdelay $0x3  }
0x157: {  	v3 =	vadd.f32 v4, v3;
	_ =	sdelay $0x1  }
.Ltmp17:
0x158: {  	v4 =	vmul.f32 $8.999999760e-01, v5;
	v3 =	vmul.f32 s0, v3;
	(pc) =	sbr.rel @p0 .LBB2_21-.Ltmp17, $3  }
0x159: {  	_ = 	snop  }
0x15a: {  	v3 =	vadd.f32 v3, v4;
	_ =	sdelay $0x1  }
0x15b: {  	v3 =	vmax.f32 v3, $0.0e+00  }
0x15c: {  	s28 =	sadd.s32 $0x1, s28  }
0x15d: {  	p0 =	sne.s32 s28, $0x5  }
.Ltmp18:
0x15e: {  	_ = 	snop;
	(pc) =	sbr.rel @p0 .LBB2_20-.Ltmp18, $2  }
0x15f: {  	_ =	sdelay $0x2  }
0x160: {  	[tilespmem:v1+s29+$0x10 ss:$0x1] =	vst.idx.msk $0xffff, v3;
	s24 =	sadd.s32 $0x80, s24;
	s25 =	sadd.s32 $0x2000, s25;
	s26 =	sadd.s32 $0x2000, s26  }
0x161: {  	s0 =	simm.s32 $0xE5F0;
	s22 =	sadd.s32 $0x1, s22  }
0x162: {  	[hbm4b:s11+s7] =	stream.linear.scatter [tilespmem:s0], [sflag:$0x2], $0xA000, $0x38;
	[tilespmem:$0x1A630] =	vst v63  }
0x163: {  	p0 =	sne.s32 s22, $0xA  }
.Ltmp19:
0x164: {  	_ =	swait.ge [sflag:s8], $0xA000;
	(pc) =	sbr.rel @p0 .LBB2_1-.Ltmp19, $3  }
0x165: {  	[sflag:s8] =	ssyncset.done $0x0  }
0x166: {  	[sflag:s8] =	ssyncadd.s32 $0xFFFF6000  }
0x167: {  	[bflag:$0x0] =	sbarrier.arrive $0xFFFF;
	_ =	sdelay $0x1  }
0x168: {  	_ =	sfence.sel $0x180000  }
0x169: {  	[bflag:$0x0] =	sbarrier.arrive $0xFFFF  }
0x16a: {  	_ =	strace $0x90000047  }
0x16b: {  	[bflag:$0x2] =	sbarrier.arrive $0xFFFF  }
0x16c: {  	p0 =	sne.s32 s6, $0x0;
	s0 =	rddreg [dreg:$0x6]  }
0x16d: {  	s0 =	sadd.s32 @!p0 $0x100000, s0  }
0x16e: {  	[sflag:s0] =	ssyncadd.tile.s32 @!p0 $0x1;
	_ =	shalt  }
.Lfunc_end2:
_tile_overlayer_lowered:
.L_overlay_start_2:
0x16f: {  	(tag) =	ssettag $0x2  }
0x170: {  	s0 =	rddreg [dreg:$0x0];
	s2 =	stileid.u32  }
0x171: {  	s1 =	rddreg [dreg:$0x1];
	p0 =	sne.s32 s2, $0x0  }
0x172: {  	s3 =	rddreg [dreg:$0x2];
	[bflag:$0x3] =	sbarrier.arrive $0xFFFF;
	s2 =	simm.s32 @!p0 $0x1C02  }
0x173: {  	[timem:s3], [sflag:s2] =	dma.local @!p0 [hbm:s0], s1  }
0x174: {  	s0 =	simm.s32 @!p0 $0x2  }
0x175: {  	_ =	swait.ge @!p0 [sflag:s0], s1  }
0x176: {  	s1 =	ssub.s32 @!p0 $0x0, s1;
	[sflag:s0] =	ssyncset.done @!p0 $0x0  }
0x177: {  	[sflag:s0] =	ssyncadd.s32 @!p0 s1  }
0x178: {  	[bflag:$0x3] =	sbarrier.arrive $0xFFFF  }
0x179: {  	_ =	shalt  }

</sc_bundles>
